<compile_context>
chip_gen: v7x
topology: tpu7x:2x2x1
jax: 0.10.2.dev20260603
libtpu: 0.0.44.dev20260713+nightly
codegen_flags: <defaults>
</compile_context>

<pallas_src>
import functools

import jax
import jax.numpy as jnp
import numpy as np
from jax import lax
from jax.experimental import pallas as pl
from jax.experimental.pallas import tpu as pltpu
from jax.experimental.pallas import tpu_sc as plsc

N = 10000
E = 160000
D = 256
H = 128
TARGET_PCT = 0.1

NS = 16
EPS = E // NS
CH = 128
NCHUNK = 79
EP = NCHUNK * CH
NP = 10112
RPS = NP // NS
DRS = 632
DRS_LAST = N - (NS - 1) * DRS

BR = 400
NB = N // BR



def _stats_body(x_ref, s_ref, q_ref):
    i = pl.program_id(0)

    @pl.when(i == 0)
    def _():
        s_ref[...] = jnp.zeros_like(s_ref)
        q_ref[...] = jnp.zeros_like(q_ref)

    xb = x_ref[...]
    s_ref[...] += jnp.sum(xb, axis=0, keepdims=True)
    q_ref[...] += jnp.sum(xb * xb, axis=0, keepdims=True)


def _stats(x):
    return pl.pallas_call(
        _stats_body,
        grid=(NB,),
        in_specs=[pl.BlockSpec((BR, D), lambda i: (i, 0))],
        out_specs=[pl.BlockSpec((1, D), lambda i: (0, 0)),
                   pl.BlockSpec((1, D), lambda i: (0, 0))],
        out_shape=[jax.ShapeDtypeStruct((1, D), jnp.float32),
                   jax.ShapeDtypeStruct((1, D), jnp.float32)],
    )(x)


def _mask_body(x_ref, m_ref, z_ref, s_ref, q_ref, o_ref):
    mean = jnp.sum(s_ref[...]) / (N * D)
    var = jnp.sum(q_ref[...]) / (N * D) - mean * mean
    std = jnp.sqrt(jnp.maximum(var, 0.0))
    tok = z_ref[...] * std + mean
    m = m_ref[...]
    o_ref[...] = x_ref[...] * (1.0 - m) + m * tok


def _mask(x, mask, z, s, q):
    return pl.pallas_call(
        _mask_body,
        grid=(2, NB),
        in_specs=[
            pl.BlockSpec((BR, H), lambda j, i: (i, j)),
            pl.BlockSpec((BR, 1), lambda j, i: (i, 0)),
            pl.BlockSpec((1, H), lambda j, i: (0, j)),
            pl.BlockSpec((1, D), lambda j, i: (0, 0)),
            pl.BlockSpec((1, D), lambda j, i: (0, 0)),
        ],
        out_specs=pl.BlockSpec((BR, H), lambda j, i: (j * NB + i, 0)),
        out_shape=jax.ShapeDtypeStruct((2 * N, H), jnp.float32),
    )(x, mask, z, s, q)


def _conv_body(ht_ref, hb_ref, at_ref, ab_ref, dg_ref, ws_ref, wn_ref, b_ref,
               o_ref):
    invd = 1.0 / jnp.maximum(dg_ref[...], 1.0)
    at = at_ref[...] * invd
    ab = ab_ref[...] * invd
    ws = ws_ref[...]
    wn = wn_ref[...]
    acc = jnp.dot(ht_ref[...], ws[:H], preferred_element_type=jnp.float32)
    acc += jnp.dot(hb_ref[...], ws[H:], preferred_element_type=jnp.float32)
    acc += jnp.dot(at, wn[:H], preferred_element_type=jnp.float32)
    acc += jnp.dot(ab, wn[H:], preferred_element_type=jnp.float32)
    o_ref[...] = jnp.maximum(acc + b_ref[...], 0.0)


_SPEC_T = pl.BlockSpec((BR, H), lambda j, i: (i, 0))
_SPEC_B = pl.BlockSpec((BR, H), lambda j, i: (i + NB, 0))
_SPEC_DG = pl.BlockSpec((BR, 1), lambda j, i: (i, 0))
_SPEC_W = pl.BlockSpec((D, H), lambda j, i: (0, j))
_SPEC_BIAS = pl.BlockSpec((1, H), lambda j, i: (0, j))
_SPEC_OUT = pl.BlockSpec((BR, H), lambda j, i: (j * NB + i, 0))
_SPEC_NAT = pl.BlockSpec((BR, H), lambda j, i: (i, j))
_STACKED = jax.ShapeDtypeStruct((2 * N, H), jnp.float32)
_NATURAL = jax.ShapeDtypeStruct((N, D), jnp.float32)


def _conv(h, a, deg, ws, wn, b):
    return pl.pallas_call(
        _conv_body,
        grid=(2, NB),
        in_specs=[_SPEC_T, _SPEC_B, _SPEC_T, _SPEC_B, _SPEC_DG, _SPEC_W,
                  _SPEC_W, _SPEC_BIAS],
        out_specs=_SPEC_OUT,
        out_shape=_STACKED,
    )(h, h, a, a, deg, ws, wn, b)


def _conv_jepa_body(ht_ref, hb_ref, at_ref, ab_ref, dg_ref, ws_ref, wn_ref,
                    b_ref, pw_ref, pb_ref, o_ref, on_ref, p_ref):
    invd = 1.0 / jnp.maximum(dg_ref[...], 1.0)
    at = at_ref[...] * invd
    ab = ab_ref[...] * invd
    ws = ws_ref[...]
    wn = wn_ref[...]
    pw = pw_ref[...]
    acc = jnp.dot(ht_ref[...], ws[:H], preferred_element_type=jnp.float32)
    acc += jnp.dot(hb_ref[...], ws[H:], preferred_element_type=jnp.float32)
    acc += jnp.dot(at, wn[:H], preferred_element_type=jnp.float32)
    acc += jnp.dot(ab, wn[H:], preferred_element_type=jnp.float32)
    o = jnp.maximum(acc + b_ref[...], 0.0)
    o_ref[...] = o
    on_ref[...] = o
    p = jnp.dot(at, pw[:H], preferred_element_type=jnp.float32)
    p += jnp.dot(ab, pw[H:], preferred_element_type=jnp.float32)
    p_ref[...] = p + pb_ref[...]


def _conv_jepa(h, a, deg, ws, wn, b, pw, pb):
    return pl.pallas_call(
        _conv_jepa_body,
        grid=(2, NB),
        in_specs=[_SPEC_T, _SPEC_B, _SPEC_T, _SPEC_B, _SPEC_DG, _SPEC_W,
                  _SPEC_W, _SPEC_BIAS, _SPEC_W, _SPEC_BIAS],
        out_specs=[_SPEC_OUT, _SPEC_NAT, _SPEC_NAT],
        out_shape=[_STACKED, _NATURAL, _NATURAL],
    )(h, h, a, a, deg, ws, wn, b, pw, pb)


def _jepa_body(at_ref, ab_ref, dg_ref, pw_ref, pb_ref, o_ref):
    invd = 1.0 / jnp.maximum(dg_ref[...], 1.0)
    at = at_ref[...] * invd
    ab = ab_ref[...] * invd
    pw = pw_ref[...]
    p = jnp.dot(at, pw[:H], preferred_element_type=jnp.float32)
    p += jnp.dot(ab, pw[H:], preferred_element_type=jnp.float32)
    o_ref[...] = p + pb_ref[...]


def _jepa(a, deg, pw, pb):
    return pl.pallas_call(
        _jepa_body,
        grid=(2, NB),
        in_specs=[_SPEC_T, _SPEC_B, _SPEC_DG, _SPEC_W, _SPEC_BIAS],
        out_specs=_SPEC_NAT,
        out_shape=_NATURAL,
    )(a, a, deg, pw, pb)



@functools.lru_cache(maxsize=None)
def _make_sc_agg(compute_deg):
    mesh = plsc.VectorSubcoreMesh(core_axis_name="c", subcore_axis_name="s",
                                  num_cores=2, num_subcores=NS)
    out_type = [jax.ShapeDtypeStruct((2 * N, H), jnp.float32)]
    if compute_deg:
        out_type.append(jax.ShapeDtypeStruct((N,), jnp.float32))
    scratch = [
        pltpu.VMEM((NCHUNK, CH), jnp.int32),
        pltpu.VMEM((NCHUNK, CH), jnp.int32),
        pltpu.VMEM((CH, H), jnp.float32),
        pltpu.VMEM((CH,), jnp.float32),
        pltpu.VMEM((CH,), jnp.float32),
        pltpu.VMEM((DRS,), jnp.float32),
        pltpu.VMEM_SHARED((NP, H), jnp.float32),
        pltpu.VMEM_SHARED((NP,), jnp.float32),
        pltpu.SemaphoreType.DMA,
        pltpu.SemaphoreType.DMA,
    ]

    def body(h_hbm, srcp_hbm, dstp_hbm, zacc_hbm, onesz_hbm, out_hbm, *rest):
        if compute_deg:
            deg_hbm = rest[0]
            rest = rest[1:]
        src_v, dst_v, rows_v, ones_v, zero_v, deg_buf, acc_sh, \
            deg_sh, sem0, sem1 = rest

        c = lax.axis_index("c")
        s = lax.axis_index("s")

        zb = s * RPS
        pltpu.sync_copy(zacc_hbm.at[pl.ds(zb, RPS)],
                        acc_sh.at[pl.ds(zb, RPS)])
        if compute_deg:
            @pl.when(c == 0)
            def _():
                pltpu.sync_copy(onesz_hbm.at[0], ones_v)
                pltpu.sync_copy(onesz_hbm.at[1], zero_v)
                for k in range(4):
                    pltpu.sync_copy(zero_v, deg_sh.at[pl.ds(zb + k * CH, CH)])
                pltpu.sync_copy(zero_v.at[pl.ds(0, RPS - 4 * CH)],
                                deg_sh.at[pl.ds(zb + 4 * CH, RPS - 4 * CH)])
        plsc.subcore_barrier()

        pltpu.sync_copy(srcp_hbm.at[c, s], src_v)
        pltpu.sync_copy(dstp_hbm.at[s], dst_v)

        def step(j, carry):
            pltpu.async_copy(h_hbm.at[src_v.at[j]], rows_v, sem0).wait()
            pltpu.sync_copy(rows_v, acc_sh.at[dst_v.at[j]], add=True)
            if compute_deg:
                @pl.when(c == 0)
                def _():
                    pltpu.sync_copy(ones_v, deg_sh.at[dst_v.at[j]], add=True)
            return carry

        lax.fori_loop(0, NCHUNK, step, 0)

        plsc.subcore_barrier()

        base = s * DRS

        @pl.when(s < NS - 1)
        def _():
            pltpu.sync_copy(acc_sh.at[pl.ds(base, DRS)],
                            out_hbm.at[pl.ds(c * N + base, DRS)])

        @pl.when(s == NS - 1)
        def _():
            pltpu.sync_copy(acc_sh.at[pl.ds((NS - 1) * DRS, DRS_LAST)],
                            out_hbm.at[pl.ds(c * N + (NS - 1) * DRS,
                                             DRS_LAST)])

        if compute_deg:
            @pl.when((c == 0) & (s < NS - 1))
            def _():
                pltpu.sync_copy(deg_sh.at[pl.ds(base, DRS)], deg_buf)
                pltpu.sync_copy(deg_buf, deg_hbm.at[pl.ds(base, DRS)])

            @pl.when((c == 0) & (s == NS - 1))
            def _():
                pltpu.sync_copy(deg_sh.at[pl.ds((NS - 1) * DRS, DRS_LAST)],
                                deg_buf.at[pl.ds(0, DRS_LAST)])
                pltpu.sync_copy(deg_buf.at[pl.ds(0, DRS_LAST)],
                                deg_hbm.at[pl.ds((NS - 1) * DRS, DRS_LAST)])

    return pl.kernel(
        body,
        out_type=tuple(out_type) if compute_deg else out_type[0],
        mesh=mesh,
        scratch_types=scratch,
    )


def _sc_agg_deg(*args):
    return _make_sc_agg(True)(*args)


def _sc_agg(*args):
    return _make_sc_agg(False)(*args)



def kernel(x, edge_index, W_self1, W_nbr1, b1, W_self2, W_nbr2, b2,
           P_w1, P_b1, P_w2, P_b2):
    src = edge_index[0]
    dst = edge_index[1]

    key = jax.random.key(42)
    k1, k2 = jax.random.split(key)
    n_tgt = int(TARGET_PCT * N)
    tgt_idx = jax.random.permutation(k1, N)[:n_tgt]
    mask = jnp.zeros((N, 1), dtype=x.dtype).at[tgt_idx].set(1.0)
    z = jax.random.normal(k2, (1, D), dtype=x.dtype)

    srcs = jnp.pad(src.reshape(NS, EPS), ((0, 0), (0, EP - EPS)))
    srcp = (srcs[None] + jnp.array([0, N], jnp.int32)[:, None, None])
    srcp = srcp.reshape(2, NS, NCHUNK, CH)
    dstp = jnp.pad(dst.reshape(NS, EPS), ((0, 0), (0, EP - EPS)),
                   constant_values=N).reshape(NS, NCHUNK, CH)
    zacc = jnp.zeros((NP, H), jnp.float32)
    onesz = jnp.stack([jnp.ones((CH,), jnp.float32),
                       jnp.zeros((CH,), jnp.float32)])

    ssum, ssq = _stats(x)
    xm = _mask(x, mask, z, ssum, ssq)

    a0, deg = _sc_agg_deg(xm, srcp, dstp, zacc, onesz)
    deg = deg[:, None]
    x1 = _conv(xm, a0, deg, W_self1, W_nbr1, b1[None, :])
    a1 = _sc_agg(x1, srcp, dstp, zacc, onesz)
    x2s, x2n, h1 = _conv_jepa(x1, a1, deg, W_self2, W_nbr2, b2[None, :],
                              P_w1, P_b1[None, :])
    a2 = _sc_agg(x2s, srcp, dstp, zacc, onesz)
    h2 = _jepa(a2, deg, P_w2, P_b2[None, :])

    return ((h1, h2), tgt_idx, x2n)

# --- scband reference (transcript-rebuilt; emitter-appended) ---
"""Pipeline reference for scband-jepa-52055003627538 (READ-ONLY COPY).

The authoritative reference and input builder live on the scoring server;
editing this copy changes nothing except your own understanding.
"""

import jax, jax.numpy as jnp
import numpy as np

N = 10000
E = 160000
D = 256
TARGET_PCT = 0.1


def _init_w(key, shape):
    fan_in = shape[0]
    return jax.random.uniform(key, shape, dtype=jnp.float32, minval=-1.0, maxval=1.0) / np.sqrt(fan_in)


def setup_inputs(seed: int = 0) -> dict:
    key = jax.random.key(seed)
    ks = jax.random.split(key, 14)
    inp = {}
    inp["x"] = jax.random.normal(ks[0], (N, D), dtype=jnp.float32)
    inp["edge_index"] = jax.random.randint(ks[1], (2, E), 0, N, dtype=jnp.int32)
    # encoder: 2 GraphConv layers (self weight, neighbor weight, bias)
    inp["W_self1"] = _init_w(ks[2], (D, D))
    inp["W_nbr1"] = _init_w(ks[3], (D, D))
    inp["b1"] = jnp.zeros((D,), dtype=jnp.float32)
    inp["W_self2"] = _init_w(ks[4], (D, D))
    inp["W_nbr2"] = _init_w(ks[5], (D, D))
    inp["b2"] = jnp.zeros((D,), dtype=jnp.float32)
    # JEPA predictor blocks (one per encoder layer, shared=False)
    inp["P_w1"] = _init_w(ks[6], (D, D))
    inp["P_b1"] = jnp.zeros((D,), dtype=jnp.float32)
    inp["P_w2"] = _init_w(ks[7], (D, D))
    inp["P_b2"] = jnp.zeros((D,), dtype=jnp.float32)
    return inp


def reference(x, edge_index, W_self1, W_nbr1, b1, W_self2, W_nbr2, b2, P_w1, P_b1, P_w2, P_b2):
    n = x.shape[0]
    src = edge_index[0]
    dst = edge_index[1]

    # --- masking (faithful to torch forward) ---
    key = jax.random.key(42)
    k1, k2 = jax.random.split(key)
    n_tgt = int(TARGET_PCT * N)
    tgt_idx = jax.random.permutation(k1, n)[:n_tgt]
    mask = jnp.zeros((n, 1), dtype=x.dtype).at[tgt_idx].set(1.0)
    mask_token = jax.random.normal(k2, (1, x.shape[-1]), dtype=x.dtype) * jnp.std(x) + jnp.mean(x)
    x = x * (1.0 - mask) + mask * mask_token

    deg = jax.ops.segment_sum(jnp.ones((src.shape[0],), dtype=x.dtype), dst, num_segments=n)
    deg = jnp.clip(deg, 1.0)[:, None]

    def conv(h, Ws, Wn, b):
        msg = jnp.take(h, src, axis=0) @ Wn
        agg = jax.ops.segment_sum(msg, dst, num_segments=n) / deg
        return jax.nn.relu(h @ Ws + agg + b)

    def jepa_block(h, Pw, Pb):
        # message passing predictor: mean-aggregate neighbors, then predict
        agg = jax.ops.segment_sum(jnp.take(h, src, axis=0), dst, num_segments=n) / deg
        return agg @ Pw + Pb

    H_pred = []
    x = conv(x, W_self1, W_nbr1, b1)
    H_pred.append(jepa_block(x, P_w1, P_b1))
    x = conv(x, W_self2, W_nbr2, b2)
    H_pred.append(jepa_block(x, P_w2, P_b2))
    return (tuple(H_pred), tgt_idx, x)

if __name__ == "__main__":
    import jax
    _d = setup_inputs()
    print(jax.jit(kernel)(*tuple(_d.values())))

</pallas_src>

<mosaic_0001>
#map = affine_map<(d0, d1) -> (0, 0)>
#map1 = affine_map<(d0, d1) -> (0, 0, 0, 0)>
#map2 = affine_map<(d0, d1) -> (0, 0, 0)>
#map3 = affine_map<(d0, d1) -> (0)>
module attributes {stable_mosaic.version = 14 : i64} {
  func.func @body(%arg0: i32, %arg1: i32, %arg2: memref<20000x128xf32, #tpu.memory_space<hbm>>, %arg3: memref<2x16x79x128xi32, #tpu.memory_space<hbm>>, %arg4: memref<16x79x128xi32, #tpu.memory_space<hbm>>, %arg5: memref<10112x128xf32, #tpu.memory_space<hbm>>, %arg6: memref<2x128xf32, #tpu.memory_space<hbm>>, %arg7: memref<20000x128xf32, #tpu.memory_space<hbm>>, %arg8: memref<10000xf32, #tpu.memory_space<hbm>>, %arg9: memref<79x128xi32, #tpu.memory_space<vmem>>, %arg10: memref<79x128xi32, #tpu.memory_space<vmem>>, %arg11: memref<128x128xf32, #tpu.memory_space<vmem>>, %arg12: memref<128xf32, #tpu.memory_space<vmem>>, %arg13: memref<128xf32, #tpu.memory_space<vmem>>, %arg14: memref<632xf32, #tpu.memory_space<vmem>>, %arg15: memref<10112x128xf32, #tpu.memory_space<vmem_shared>>, %arg16: memref<10112xf32, #tpu.memory_space<vmem_shared>>, %arg17: memref<!tpu.dma_semaphore, #tpu.memory_space<semaphore_mem>>, %arg18: memref<!tpu.dma_semaphore, #tpu.memory_space<semaphore_mem>>) attributes {dimension_semantics = [#tpu.dimension_semantics<core_parallel>, #tpu.dimension_semantics<subcore_parallel>], iteration_bounds = array<i64: 2, 16>, scalar_prefetch = 0 : i64, scratch_operands = 10 : i64, tpu.core_type = #tpu.core_type<sc_vector_subcore>, window_params = [{transform_indices = #map}, {transform_indices = #map1}, {transform_indices = #map2}, {transform_indices = #map}, {transform_indices = #map}, {transform_indices = #map}, {transform_indices = #map3}]} {
    %mul3A = arith.constant 632 : i32
    %mul3A_0 = arith.muli %arg1, %mul3A : i32
    "tpu.region"() ({
      %run_scoped3A = tpu.sem_alloc : memref<!tpu.dma_semaphore, #tpu.memory_space<semaphore_mem>>
      %dma_start3A = arith.constant 0 : i32
      %dma_start3A_35 = tpu.memref_slice %arg15[%mul3A_0, %dma_start3A] : memref<10112x128xf32, #tpu.memory_space<vmem_shared>> -> memref<632x128xf32, #tpu.memory_space<vmem_shared>>
      %dma_start3A_36 = arith.constant 0 : i32
      %dma_start3A_37 = tpu.memref_slice %arg5[%mul3A_0, %dma_start3A_36] : memref<10112x128xf32, #tpu.memory_space<hbm>> -> memref<632x128xf32, #tpu.memory_space<hbm>>
      tpu.enqueue_dma source(%dma_start3A_37 : memref<632x128xf32, #tpu.memory_space<hbm>>) target(%dma_start3A_35 : memref<632x128xf32, #tpu.memory_space<vmem_shared>>) target_semaphore(%run_scoped3A : memref<!tpu.dma_semaphore, #tpu.memory_space<semaphore_mem>>)
      %dma_wait3A = arith.constant 0 : i32
      %dma_wait3A_38 = tpu.memref_slice %arg15[%mul3A_0, %dma_wait3A] : memref<10112x128xf32, #tpu.memory_space<vmem_shared>> -> memref<632x128xf32, #tpu.memory_space<vmem_shared>>
      %dma_wait3A_39 = arith.constant 0 : i32
      %dma_wait3A_40 = tpu.memref_slice %arg5[%mul3A_0, %dma_wait3A_39] : memref<10112x128xf32, #tpu.memory_space<hbm>> -> memref<632x128xf32, #tpu.memory_space<hbm>>
      tpu.wait_dma2 semaphore(%run_scoped3A : memref<!tpu.dma_semaphore, #tpu.memory_space<semaphore_mem>>) src(%dma_wait3A_40 : memref<632x128xf32, #tpu.memory_space<hbm>>) dst(%dma_wait3A_38 : memref<632x128xf32, #tpu.memory_space<vmem_shared>>)
      tpu.yield
    }) : () -> ()
    %eq3A = arith.constant 0 : i32
    %eq3A_1 = arith.cmpi eq, %arg0, %eq3A : i32
    %convert_element_type3A = arith.extui %eq3A_1 : i1 to i32
    %cond3A = arith.constant 0 : i32
    %cond3A_2 = arith.cmpi ne, %convert_element_type3A, %cond3A : i32
    scf.if %cond3A_2 {
      %run_scoped3A = arith.constant 0 : i32
      "tpu.region"() ({
        %run_scoped3A_45 = tpu.sem_alloc : memref<!tpu.dma_semaphore, #tpu.memory_space<semaphore_mem>>
        %dma_start3A = arith.constant 0 : i32
        %dma_start3A_46 = tpu.memref_slice %arg6[%run_scoped3A, %dma_start3A] : memref<2x128xf32, #tpu.memory_space<hbm>> -> memref<1x128xf32, #tpu.memory_space<hbm>>
        %dma_start3A_47 = tpu.memref_squeeze %dma_start3A_46 : memref<1x128xf32, #tpu.memory_space<hbm>> -> memref<128xf32, #tpu.memory_space<hbm>>
        %dma_start3A_48 = arith.constant 0 : i32
        %dma_start3A_49 = tpu.memref_slice %arg6[%run_scoped3A, %dma_start3A_48] : memref<2x128xf32, #tpu.memory_space<hbm>> -> memref<1x128xf32, #tpu.memory_space<hbm>>
        %dma_start3A_50 = tpu.memref_squeeze %dma_start3A_49 : memref<1x128xf32, #tpu.memory_space<hbm>> -> memref<128xf32, #tpu.memory_space<hbm>>
        tpu.enqueue_dma source(%dma_start3A_50 : memref<128xf32, #tpu.memory_space<hbm>>) target(%arg12 : memref<128xf32, #tpu.memory_space<vmem>>) target_semaphore(%run_scoped3A_45 : memref<!tpu.dma_semaphore, #tpu.memory_space<semaphore_mem>>)
        %dma_wait3A = arith.constant 0 : i32
        %dma_wait3A_51 = tpu.memref_slice %arg6[%run_scoped3A, %dma_wait3A] : memref<2x128xf32, #tpu.memory_space<hbm>> -> memref<1x128xf32, #tpu.memory_space<hbm>>
        %dma_wait3A_52 = tpu.memref_squeeze %dma_wait3A_51 : memref<1x128xf32, #tpu.memory_space<hbm>> -> memref<128xf32, #tpu.memory_space<hbm>>
        %dma_wait3A_53 = arith.constant 0 : i32
        %dma_wait3A_54 = tpu.memref_slice %arg6[%run_scoped3A, %dma_wait3A_53] : memref<2x128xf32, #tpu.memory_space<hbm>> -> memref<1x128xf32, #tpu.memory_space<hbm>>
        %dma_wait3A_55 = tpu.memref_squeeze %dma_wait3A_54 : memref<1x128xf32, #tpu.memory_space<hbm>> -> memref<128xf32, #tpu.memory_space<hbm>>
        tpu.wait_dma2 semaphore(%run_scoped3A_45 : memref<!tpu.dma_semaphore, #tpu.memory_space<semaphore_mem>>) src(%dma_wait3A_55 : memref<128xf32, #tpu.memory_space<hbm>>) dst(%arg12 : memref<128xf32, #tpu.memory_space<vmem>>)
        tpu.yield
      }) : () -> ()
      %run_scoped3A_35 = arith.constant 1 : i32
      "tpu.region"() ({
        %run_scoped3A_45 = tpu.sem_alloc : memref<!tpu.dma_semaphore, #tpu.memory_space<semaphore_mem>>
        %dma_start3A = arith.constant 0 : i32
        %dma_start3A_46 = tpu.memref_slice %arg6[%run_scoped3A_35, %dma_start3A] : memref<2x128xf32, #tpu.memory_space<hbm>> -> memref<1x128xf32, #tpu.memory_space<hbm>>
        %dma_start3A_47 = tpu.memref_squeeze %dma_start3A_46 : memref<1x128xf32, #tpu.memory_space<hbm>> -> memref<128xf32, #tpu.memory_space<hbm>>
        %dma_start3A_48 = arith.constant 0 : i32
        %dma_start3A_49 = tpu.memref_slice %arg6[%run_scoped3A_35, %dma_start3A_48] : memref<2x128xf32, #tpu.memory_space<hbm>> -> memref<1x128xf32, #tpu.memory_space<hbm>>
        %dma_start3A_50 = tpu.memref_squeeze %dma_start3A_49 : memref<1x128xf32, #tpu.memory_space<hbm>> -> memref<128xf32, #tpu.memory_space<hbm>>
        tpu.enqueue_dma source(%dma_start3A_50 : memref<128xf32, #tpu.memory_space<hbm>>) target(%arg13 : memref<128xf32, #tpu.memory_space<vmem>>) target_semaphore(%run_scoped3A_45 : memref<!tpu.dma_semaphore, #tpu.memory_space<semaphore_mem>>)
        %dma_wait3A = arith.constant 0 : i32
        %dma_wait3A_51 = tpu.memref_slice %arg6[%run_scoped3A_35, %dma_wait3A] : memref<2x128xf32, #tpu.memory_space<hbm>> -> memref<1x128xf32, #tpu.memory_space<hbm>>
        %dma_wait3A_52 = tpu.memref_squeeze %dma_wait3A_51 : memref<1x128xf32, #tpu.memory_space<hbm>> -> memref<128xf32, #tpu.memory_space<hbm>>
        %dma_wait3A_53 = arith.constant 0 : i32
        %dma_wait3A_54 = tpu.memref_slice %arg6[%run_scoped3A_35, %dma_wait3A_53] : memref<2x128xf32, #tpu.memory_space<hbm>> -> memref<1x128xf32, #tpu.memory_space<hbm>>
        %dma_wait3A_55 = tpu.memref_squeeze %dma_wait3A_54 : memref<1x128xf32, #tpu.memory_space<hbm>> -> memref<128xf32, #tpu.memory_space<hbm>>
        tpu.wait_dma2 semaphore(%run_scoped3A_45 : memref<!tpu.dma_semaphore, #tpu.memory_space<semaphore_mem>>) src(%dma_wait3A_55 : memref<128xf32, #tpu.memory_space<hbm>>) dst(%arg13 : memref<128xf32, #tpu.memory_space<vmem>>)
        tpu.yield
      }) : () -> ()
      %add3A = arith.constant 0 : i32
      %add3A_36 = arith.addi %mul3A_0, %add3A : i32
      "tpu.region"() ({
        %run_scoped3A_45 = tpu.sem_alloc : memref<!tpu.dma_semaphore, #tpu.memory_space<semaphore_mem>>
        %dma_start3A = tpu.memref_slice %arg16[%add3A_36] : memref<10112xf32, #tpu.memory_space<vmem_shared>> -> memref<128xf32, #tpu.memory_space<vmem_shared>>
        %dma_start3A_46 = tpu.memref_slice %arg16[%add3A_36] : memref<10112xf32, #tpu.memory_space<vmem_shared>> -> memref<128xf32, #tpu.memory_space<vmem_shared>>
        tpu.enqueue_dma source(%arg13 : memref<128xf32, #tpu.memory_space<vmem>>) target(%dma_start3A_46 : memref<128xf32, #tpu.memory_space<vmem_shared>>) target_semaphore(%run_scoped3A_45 : memref<!tpu.dma_semaphore, #tpu.memory_space<semaphore_mem>>)
        %dma_wait3A = tpu.memref_slice %arg16[%add3A_36] : memref<10112xf32, #tpu.memory_space<vmem_shared>> -> memref<128xf32, #tpu.memory_space<vmem_shared>>
        %dma_wait3A_47 = tpu.memref_slice %arg16[%add3A_36] : memref<10112xf32, #tpu.memory_space<vmem_shared>> -> memref<128xf32, #tpu.memory_space<vmem_shared>>
        tpu.wait_dma2 semaphore(%run_scoped3A_45 : memref<!tpu.dma_semaphore, #tpu.memory_space<semaphore_mem>>) src(%arg13 : memref<128xf32, #tpu.memory_space<vmem>>) dst(%dma_wait3A_47 : memref<128xf32, #tpu.memory_space<vmem_shared>>)
        tpu.yield
      }) : () -> ()
      %add3A_37 = arith.constant 128 : i32
      %add3A_38 = arith.addi %mul3A_0, %add3A_37 : i32
      "tpu.region"() ({
        %run_scoped3A_45 = tpu.sem_alloc : memref<!tpu.dma_semaphore, #tpu.memory_space<semaphore_mem>>
        %dma_start3A = tpu.memref_slice %arg16[%add3A_38] : memref<10112xf32, #tpu.memory_space<vmem_shared>> -> memref<128xf32, #tpu.memory_space<vmem_shared>>
        %dma_start3A_46 = tpu.memref_slice %arg16[%add3A_38] : memref<10112xf32, #tpu.memory_space<vmem_shared>> -> memref<128xf32, #tpu.memory_space<vmem_shared>>
        tpu.enqueue_dma source(%arg13 : memref<128xf32, #tpu.memory_space<vmem>>) target(%dma_start3A_46 : memref<128xf32, #tpu.memory_space<vmem_shared>>) target_semaphore(%run_scoped3A_45 : memref<!tpu.dma_semaphore, #tpu.memory_space<semaphore_mem>>)
        %dma_wait3A = tpu.memref_slice %arg16[%add3A_38] : memref<10112xf32, #tpu.memory_space<vmem_shared>> -> memref<128xf32, #tpu.memory_space<vmem_shared>>
        %dma_wait3A_47 = tpu.memref_slice %arg16[%add3A_38] : memref<10112xf32, #tpu.memory_space<vmem_shared>> -> memref<128xf32, #tpu.memory_space<vmem_shared>>
        tpu.wait_dma2 semaphore(%run_scoped3A_45 : memref<!tpu.dma_semaphore, #tpu.memory_space<semaphore_mem>>) src(%arg13 : memref<128xf32, #tpu.memory_space<vmem>>) dst(%dma_wait3A_47 : memref<128xf32, #tpu.memory_space<vmem_shared>>)
        tpu.yield
      }) : () -> ()
      %add3A_39 = arith.constant 256 : i32
      %add3A_40 = arith.addi %mul3A_0, %add3A_39 : i32
      "tpu.region"() ({
        %run_scoped3A_45 = tpu.sem_alloc : memref<!tpu.dma_semaphore, #tpu.memory_space<semaphore_mem>>
        %dma_start3A = tpu.memref_slice %arg16[%add3A_40] : memref<10112xf32, #tpu.memory_space<vmem_shared>> -> memref<128xf32, #tpu.memory_space<vmem_shared>>
        %dma_start3A_46 = tpu.memref_slice %arg16[%add3A_40] : memref<10112xf32, #tpu.memory_space<vmem_shared>> -> memref<128xf32, #tpu.memory_space<vmem_shared>>
        tpu.enqueue_dma source(%arg13 : memref<128xf32, #tpu.memory_space<vmem>>) target(%dma_start3A_46 : memref<128xf32, #tpu.memory_space<vmem_shared>>) target_semaphore(%run_scoped3A_45 : memref<!tpu.dma_semaphore, #tpu.memory_space<semaphore_mem>>)
        %dma_wait3A = tpu.memref_slice %arg16[%add3A_40] : memref<10112xf32, #tpu.memory_space<vmem_shared>> -> memref<128xf32, #tpu.memory_space<vmem_shared>>
        %dma_wait3A_47 = tpu.memref_slice %arg16[%add3A_40] : memref<10112xf32, #tpu.memory_space<vmem_shared>> -> memref<128xf32, #tpu.memory_space<vmem_shared>>
        tpu.wait_dma2 semaphore(%run_scoped3A_45 : memref<!tpu.dma_semaphore, #tpu.memory_space<semaphore_mem>>) src(%arg13 : memref<128xf32, #tpu.memory_space<vmem>>) dst(%dma_wait3A_47 : memref<128xf32, #tpu.memory_space<vmem_shared>>)
        tpu.yield
      }) : () -> ()
      %add3A_41 = arith.constant 384 : i32
      %add3A_42 = arith.addi %mul3A_0, %add3A_41 : i32
      "tpu.region"() ({
        %run_scoped3A_45 = tpu.sem_alloc : memref<!tpu.dma_semaphore, #tpu.memory_space<semaphore_mem>>
        %dma_start3A = tpu.memref_slice %arg16[%add3A_42] : memref<10112xf32, #tpu.memory_space<vmem_shared>> -> memref<128xf32, #tpu.memory_space<vmem_shared>>
        %dma_start3A_46 = tpu.memref_slice %arg16[%add3A_42] : memref<10112xf32, #tpu.memory_space<vmem_shared>> -> memref<128xf32, #tpu.memory_space<vmem_shared>>
        tpu.enqueue_dma source(%arg13 : memref<128xf32, #tpu.memory_space<vmem>>) target(%dma_start3A_46 : memref<128xf32, #tpu.memory_space<vmem_shared>>) target_semaphore(%run_scoped3A_45 : memref<!tpu.dma_semaphore, #tpu.memory_space<semaphore_mem>>)
        %dma_wait3A = tpu.memref_slice %arg16[%add3A_42] : memref<10112xf32, #tpu.memory_space<vmem_shared>> -> memref<128xf32, #tpu.memory_space<vmem_shared>>
        %dma_wait3A_47 = tpu.memref_slice %arg16[%add3A_42] : memref<10112xf32, #tpu.memory_space<vmem_shared>> -> memref<128xf32, #tpu.memory_space<vmem_shared>>
        tpu.wait_dma2 semaphore(%run_scoped3A_45 : memref<!tpu.dma_semaphore, #tpu.memory_space<semaphore_mem>>) src(%arg13 : memref<128xf32, #tpu.memory_space<vmem>>) dst(%dma_wait3A_47 : memref<128xf32, #tpu.memory_space<vmem_shared>>)
        tpu.yield
      }) : () -> ()
      %add3A_43 = arith.constant 512 : i32
      %add3A_44 = arith.addi %mul3A_0, %add3A_43 : i32
      "tpu.region"() ({
        %run_scoped3A_45 = tpu.sem_alloc : memref<!tpu.dma_semaphore, #tpu.memory_space<semaphore_mem>>
        %dma_start3A = arith.constant 0 : i32
        %dma_start3A_46 = tpu.memref_slice %arg13[%dma_start3A] : memref<128xf32, #tpu.memory_space<vmem>> -> memref<120xf32, #tpu.memory_space<vmem>>
        %dma_start3A_47 = tpu.memref_slice %arg16[%add3A_44] : memref<10112xf32, #tpu.memory_space<vmem_shared>> -> memref<120xf32, #tpu.memory_space<vmem_shared>>
        %dma_start3A_48 = tpu.memref_slice %arg16[%add3A_44] : memref<10112xf32, #tpu.memory_space<vmem_shared>> -> memref<120xf32, #tpu.memory_space<vmem_shared>>
        %dma_start3A_49 = arith.constant 0 : i32
        %dma_start3A_50 = tpu.memref_slice %arg13[%dma_start3A_49] : memref<128xf32, #tpu.memory_space<vmem>> -> memref<120xf32, #tpu.memory_space<vmem>>
        tpu.enqueue_dma source(%dma_start3A_50 : memref<120xf32, #tpu.memory_space<vmem>>) target(%dma_start3A_48 : memref<120xf32, #tpu.memory_space<vmem_shared>>) target_semaphore(%run_scoped3A_45 : memref<!tpu.dma_semaphore, #tpu.memory_space<semaphore_mem>>)
        %dma_wait3A = arith.constant 0 : i32
        %dma_wait3A_51 = tpu.memref_slice %arg13[%dma_wait3A] : memref<128xf32, #tpu.memory_space<vmem>> -> memref<120xf32, #tpu.memory_space<vmem>>
        %dma_wait3A_52 = tpu.memref_slice %arg16[%add3A_44] : memref<10112xf32, #tpu.memory_space<vmem_shared>> -> memref<120xf32, #tpu.memory_space<vmem_shared>>
        %dma_wait3A_53 = tpu.memref_slice %arg16[%add3A_44] : memref<10112xf32, #tpu.memory_space<vmem_shared>> -> memref<120xf32, #tpu.memory_space<vmem_shared>>
        %dma_wait3A_54 = arith.constant 0 : i32
        %dma_wait3A_55 = tpu.memref_slice %arg13[%dma_wait3A_54] : memref<128xf32, #tpu.memory_space<vmem>> -> memref<120xf32, #tpu.memory_space<vmem>>
        tpu.wait_dma2 semaphore(%run_scoped3A_45 : memref<!tpu.dma_semaphore, #tpu.memory_space<semaphore_mem>>) src(%dma_wait3A_55 : memref<120xf32, #tpu.memory_space<vmem>>) dst(%dma_wait3A_53 : memref<120xf32, #tpu.memory_space<vmem_shared>>)
        tpu.yield
      }) : () -> ()
    } else {
    }
    %barrier3A = arith.constant 0 : index
    tpu.barrier barrier_id(%barrier3A)
    "tpu.region"() ({
      %run_scoped3A = tpu.sem_alloc : memref<!tpu.dma_semaphore, #tpu.memory_space<semaphore_mem>>
      %dma_start3A = arith.constant 0 : i32
      %dma_start3A_35 = arith.constant 0 : i32
      %dma_start3A_36 = tpu.memref_slice %arg3[%arg0, %arg1, %dma_start3A, %dma_start3A_35] : memref<2x16x79x128xi32, #tpu.memory_space<hbm>> -> memref<1x1x79x128xi32, #tpu.memory_space<hbm>>
      %dma_start3A_37 = tpu.memref_squeeze %dma_start3A_36 : memref<1x1x79x128xi32, #tpu.memory_space<hbm>> -> memref<79x128xi32, #tpu.memory_space<hbm>>
      %dma_start3A_38 = arith.constant 0 : i32
      %dma_start3A_39 = arith.constant 0 : i32
      %dma_start3A_40 = tpu.memref_slice %arg3[%arg0, %arg1, %dma_start3A_38, %dma_start3A_39] : memref<2x16x79x128xi32, #tpu.memory_space<hbm>> -> memref<1x1x79x128xi32, #tpu.memory_space<hbm>>
      %dma_start3A_41 = tpu.memref_squeeze %dma_start3A_40 : memref<1x1x79x128xi32, #tpu.memory_space<hbm>> -> memref<79x128xi32, #tpu.memory_space<hbm>>
      tpu.enqueue_dma source(%dma_start3A_41 : memref<79x128xi32, #tpu.memory_space<hbm>>) target(%arg9 : memref<79x128xi32, #tpu.memory_space<vmem>>) target_semaphore(%run_scoped3A : memref<!tpu.dma_semaphore, #tpu.memory_space<semaphore_mem>>)
      %dma_wait3A = arith.constant 0 : i32
      %dma_wait3A_42 = arith.constant 0 : i32
      %dma_wait3A_43 = tpu.memref_slice %arg3[%arg0, %arg1, %dma_wait3A, %dma_wait3A_42] : memref<2x16x79x128xi32, #tpu.memory_space<hbm>> -> memref<1x1x79x128xi32, #tpu.memory_space<hbm>>
      %dma_wait3A_44 = tpu.memref_squeeze %dma_wait3A_43 : memref<1x1x79x128xi32, #tpu.memory_space<hbm>> -> memref<79x128xi32, #tpu.memory_space<hbm>>
      %dma_wait3A_45 = arith.constant 0 : i32
      %dma_wait3A_46 = arith.constant 0 : i32
      %dma_wait3A_47 = tpu.memref_slice %arg3[%arg0, %arg1, %dma_wait3A_45, %dma_wait3A_46] : memref<2x16x79x128xi32, #tpu.memory_space<hbm>> -> memref<1x1x79x128xi32, #tpu.memory_space<hbm>>
      %dma_wait3A_48 = tpu.memref_squeeze %dma_wait3A_47 : memref<1x1x79x128xi32, #tpu.memory_space<hbm>> -> memref<79x128xi32, #tpu.memory_space<hbm>>
      tpu.wait_dma2 semaphore(%run_scoped3A : memref<!tpu.dma_semaphore, #tpu.memory_space<semaphore_mem>>) src(%dma_wait3A_48 : memref<79x128xi32, #tpu.memory_space<hbm>>) dst(%arg9 : memref<79x128xi32, #tpu.memory_space<vmem>>)
      tpu.yield
    }) : () -> ()
    "tpu.region"() ({
      %run_scoped3A = tpu.sem_alloc : memref<!tpu.dma_semaphore, #tpu.memory_space<semaphore_mem>>
      %dma_start3A = arith.constant 0 : i32
      %dma_start3A_35 = arith.constant 0 : i32
      %dma_start3A_36 = tpu.memref_slice %arg4[%arg1, %dma_start3A, %dma_start3A_35] : memref<16x79x128xi32, #tpu.memory_space<hbm>> -> memref<1x79x128xi32, #tpu.memory_space<hbm>>
      %dma_start3A_37 = tpu.memref_squeeze %dma_start3A_36 : memref<1x79x128xi32, #tpu.memory_space<hbm>> -> memref<79x128xi32, #tpu.memory_space<hbm>>
      %dma_start3A_38 = arith.constant 0 : i32
      %dma_start3A_39 = arith.constant 0 : i32
      %dma_start3A_40 = tpu.memref_slice %arg4[%arg1, %dma_start3A_38, %dma_start3A_39] : memref<16x79x128xi32, #tpu.memory_space<hbm>> -> memref<1x79x128xi32, #tpu.memory_space<hbm>>
      %dma_start3A_41 = tpu.memref_squeeze %dma_start3A_40 : memref<1x79x128xi32, #tpu.memory_space<hbm>> -> memref<79x128xi32, #tpu.memory_space<hbm>>
      tpu.enqueue_dma source(%dma_start3A_41 : memref<79x128xi32, #tpu.memory_space<hbm>>) target(%arg10 : memref<79x128xi32, #tpu.memory_space<vmem>>) target_semaphore(%run_scoped3A : memref<!tpu.dma_semaphore, #tpu.memory_space<semaphore_mem>>)
      %dma_wait3A = arith.constant 0 : i32
      %dma_wait3A_42 = arith.constant 0 : i32
      %dma_wait3A_43 = tpu.memref_slice %arg4[%arg1, %dma_wait3A, %dma_wait3A_42] : memref<16x79x128xi32, #tpu.memory_space<hbm>> -> memref<1x79x128xi32, #tpu.memory_space<hbm>>
      %dma_wait3A_44 = tpu.memref_squeeze %dma_wait3A_43 : memref<1x79x128xi32, #tpu.memory_space<hbm>> -> memref<79x128xi32, #tpu.memory_space<hbm>>
      %dma_wait3A_45 = arith.constant 0 : i32
      %dma_wait3A_46 = arith.constant 0 : i32
      %dma_wait3A_47 = tpu.memref_slice %arg4[%arg1, %dma_wait3A_45, %dma_wait3A_46] : memref<16x79x128xi32, #tpu.memory_space<hbm>> -> memref<1x79x128xi32, #tpu.memory_space<hbm>>
      %dma_wait3A_48 = tpu.memref_squeeze %dma_wait3A_47 : memref<1x79x128xi32, #tpu.memory_space<hbm>> -> memref<79x128xi32, #tpu.memory_space<hbm>>
      tpu.wait_dma2 semaphore(%run_scoped3A : memref<!tpu.dma_semaphore, #tpu.memory_space<semaphore_mem>>) src(%dma_wait3A_48 : memref<79x128xi32, #tpu.memory_space<hbm>>) dst(%arg10 : memref<79x128xi32, #tpu.memory_space<vmem>>)
      tpu.yield
    }) : () -> ()
    %scan3A = arith.constant 0 : i32
    %scan3A_3 = arith.constant 0 : i32
    %scan3A_4 = arith.constant 79 : i32
    %scan3A_5 = arith.addi %scan3A_3, %scan3A_4 : i32
    %scan3A_6 = arith.constant 1 : i32
    scf.for %scan3A_35 = %scan3A_3 to %scan3A_5 step %scan3A_6  : i32 {
      %dma_start3A = arith.constant 0 : i32
      %dma_start3A_36 = tpu.memref_slice %arg9[%scan3A_35, %dma_start3A] : memref<79x128xi32, #tpu.memory_space<vmem>> -> memref<1x128xi32, #tpu.memory_space<vmem>>
      %dma_start3A_37 = tpu.memref_squeeze %dma_start3A_36 : memref<1x128xi32, #tpu.memory_space<vmem>> -> memref<128xi32, #tpu.memory_space<vmem>>
      %dma_start3A_38 = arith.constant 0 : i32
      %dma_start3A_39 = arith.constant 0 : i32
      %dma_start3A_40 = tpu.memref_slice %arg2[%dma_start3A_38, %dma_start3A_39] : memref<20000x128xf32, #tpu.memory_space<hbm>> -> memref<20000x128xf32, #tpu.memory_space<hbm>>
      tpu.enqueue_indirect_dma source(%dma_start3A_40 : memref<20000x128xf32, #tpu.memory_space<hbm>>) target(%arg11 : memref<128x128xf32, #tpu.memory_space<vmem>>) offsets(%dma_start3A_37 : memref<128xi32, #tpu.memory_space<vmem>>) semaphore(%arg17 : memref<!tpu.dma_semaphore, #tpu.memory_space<semaphore_mem>>)
      %dma_wait3A = arith.constant 0 : i32
      %dma_wait3A_41 = tpu.memref_slice %arg9[%scan3A_35, %dma_wait3A] : memref<79x128xi32, #tpu.memory_space<vmem>> -> memref<1x128xi32, #tpu.memory_space<vmem>>
      %dma_wait3A_42 = tpu.memref_squeeze %dma_wait3A_41 : memref<1x128xi32, #tpu.memory_space<vmem>> -> memref<128xi32, #tpu.memory_space<vmem>>
      %dma_wait3A_43 = arith.constant 0 : i32
      %dma_wait3A_44 = arith.constant 0 : i32
      %dma_wait3A_45 = tpu.memref_slice %arg2[%dma_wait3A_43, %dma_wait3A_44] : memref<20000x128xf32, #tpu.memory_space<hbm>> -> memref<20000x128xf32, #tpu.memory_space<hbm>>
      tpu.wait_indirect_dma semaphore(%arg17 : memref<!tpu.dma_semaphore, #tpu.memory_space<semaphore_mem>>) src(%dma_wait3A_45 : memref<20000x128xf32, #tpu.memory_space<hbm>>) dst(%arg11 : memref<128x128xf32, #tpu.memory_space<vmem>>)
      "tpu.region"() ({
        %run_scoped3A = tpu.sem_alloc : memref<!tpu.dma_semaphore, #tpu.memory_space<semaphore_mem>>
        %dma_start3A_51 = arith.constant 0 : i32
        %dma_start3A_52 = tpu.memref_slice %arg10[%scan3A_35, %dma_start3A_51] : memref<79x128xi32, #tpu.memory_space<vmem>> -> memref<1x128xi32, #tpu.memory_space<vmem>>
        %dma_start3A_53 = tpu.memref_squeeze %dma_start3A_52 : memref<1x128xi32, #tpu.memory_space<vmem>> -> memref<128xi32, #tpu.memory_space<vmem>>
        %dma_start3A_54 = arith.constant 0 : i32
        %dma_start3A_55 = arith.constant 0 : i32
        %dma_start3A_56 = tpu.memref_slice %arg15[%dma_start3A_54, %dma_start3A_55] : memref<10112x128xf32, #tpu.memory_space<vmem_shared>> -> memref<10112x128xf32, #tpu.memory_space<vmem_shared>>
        tpu.enqueue_indirect_dma source(%arg11 : memref<128x128xf32, #tpu.memory_space<vmem>>) target(%dma_start3A_56 : memref<10112x128xf32, #tpu.memory_space<vmem_shared>>) offsets(%dma_start3A_53 : memref<128xi32, #tpu.memory_space<vmem>>) semaphore(%run_scoped3A : memref<!tpu.dma_semaphore, #tpu.memory_space<semaphore_mem>>) {add = true}
        %dma_wait3A_57 = arith.constant 0 : i32
        %dma_wait3A_58 = tpu.memref_slice %arg10[%scan3A_35, %dma_wait3A_57] : memref<79x128xi32, #tpu.memory_space<vmem>> -> memref<1x128xi32, #tpu.memory_space<vmem>>
        %dma_wait3A_59 = tpu.memref_squeeze %dma_wait3A_58 : memref<1x128xi32, #tpu.memory_space<vmem>> -> memref<128xi32, #tpu.memory_space<vmem>>
        %dma_wait3A_60 = arith.constant 0 : i32
        %dma_wait3A_61 = arith.constant 0 : i32
        %dma_wait3A_62 = tpu.memref_slice %arg15[%dma_wait3A_60, %dma_wait3A_61] : memref<10112x128xf32, #tpu.memory_space<vmem_shared>> -> memref<10112x128xf32, #tpu.memory_space<vmem_shared>>
        tpu.wait_indirect_dma semaphore(%run_scoped3A : memref<!tpu.dma_semaphore, #tpu.memory_space<semaphore_mem>>) src(%arg11 : memref<128x128xf32, #tpu.memory_space<vmem>>) dst(%dma_wait3A_62 : memref<10112x128xf32, #tpu.memory_space<vmem_shared>>)
        tpu.yield
      }) : () -> ()
      %eq3A_46 = arith.constant 0 : i32
      %eq3A_47 = arith.cmpi eq, %arg0, %eq3A_46 : i32
      %convert_element_type3A_48 = arith.extui %eq3A_47 : i1 to i32
      %cond3A_49 = arith.constant 0 : i32
      %cond3A_50 = arith.cmpi ne, %convert_element_type3A_48, %cond3A_49 : i32
      scf.if %cond3A_50 {
        "tpu.region"() ({
          %run_scoped3A = tpu.sem_alloc : memref<!tpu.dma_semaphore, #tpu.memory_space<semaphore_mem>>
          %dma_start3A_51 = arith.constant 0 : i32
          %dma_start3A_52 = tpu.memref_slice %arg10[%scan3A_35, %dma_start3A_51] : memref<79x128xi32, #tpu.memory_space<vmem>> -> memref<1x128xi32, #tpu.memory_space<vmem>>
          %dma_start3A_53 = tpu.memref_squeeze %dma_start3A_52 : memref<1x128xi32, #tpu.memory_space<vmem>> -> memref<128xi32, #tpu.memory_space<vmem>>
          %dma_start3A_54 = arith.constant 0 : i32
          %dma_start3A_55 = tpu.memref_slice %arg16[%dma_start3A_54] : memref<10112xf32, #tpu.memory_space<vmem_shared>> -> memref<10112xf32, #tpu.memory_space<vmem_shared>>
          tpu.enqueue_indirect_dma source(%arg12 : memref<128xf32, #tpu.memory_space<vmem>>) target(%dma_start3A_55 : memref<10112xf32, #tpu.memory_space<vmem_shared>>) offsets(%dma_start3A_53 : memref<128xi32, #tpu.memory_space<vmem>>) semaphore(%run_scoped3A : memref<!tpu.dma_semaphore, #tpu.memory_space<semaphore_mem>>) {add = true}
          %dma_wait3A_56 = arith.constant 0 : i32
          %dma_wait3A_57 = tpu.memref_slice %arg10[%scan3A_35, %dma_wait3A_56] : memref<79x128xi32, #tpu.memory_space<vmem>> -> memref<1x128xi32, #tpu.memory_space<vmem>>
          %dma_wait3A_58 = tpu.memref_squeeze %dma_wait3A_57 : memref<1x128xi32, #tpu.memory_space<vmem>> -> memref<128xi32, #tpu.memory_space<vmem>>
          %dma_wait3A_59 = arith.constant 0 : i32
          %dma_wait3A_60 = tpu.memref_slice %arg16[%dma_wait3A_59] : memref<10112xf32, #tpu.memory_space<vmem_shared>> -> memref<10112xf32, #tpu.memory_space<vmem_shared>>
          tpu.wait_indirect_dma semaphore(%run_scoped3A : memref<!tpu.dma_semaphore, #tpu.memory_space<semaphore_mem>>) src(%arg12 : memref<128xf32, #tpu.memory_space<vmem>>) dst(%dma_wait3A_60 : memref<10112xf32, #tpu.memory_space<vmem_shared>>)
          tpu.yield
        }) : () -> ()
      } else {
      }
    }
    %scan3A_7 = arith.constant 79 : i32
    %barrier3A_8 = arith.constant 0 : index
    tpu.barrier barrier_id(%barrier3A_8)
    %mul3A_9 = arith.constant 632 : i32
    %mul3A_10 = arith.muli %arg1, %mul3A_9 : i32
    %lt3A = arith.constant 15 : i32
    %lt3A_11 = arith.cmpi slt, %arg1, %lt3A : i32
    %convert_element_type3A_12 = arith.extui %lt3A_11 : i1 to i32
    %cond3A_13 = arith.constant 0 : i32
    %cond3A_14 = arith.cmpi ne, %convert_element_type3A_12, %cond3A_13 : i32
    scf.if %cond3A_14 {
      %mul3A_35 = arith.constant 10000 : i32
      %mul3A_36 = arith.muli %arg0, %mul3A_35 : i32
      %add3A = arith.addi %mul3A_36, %mul3A_10 : i32
      "tpu.region"() ({
        %run_scoped3A = tpu.sem_alloc : memref<!tpu.dma_semaphore, #tpu.memory_space<semaphore_mem>>
        %dma_start3A = arith.constant 0 : i32
        %dma_start3A_37 = tpu.memref_slice %arg7[%add3A, %dma_start3A] : memref<20000x128xf32, #tpu.memory_space<hbm>> -> memref<632x128xf32, #tpu.memory_space<hbm>>
        %dma_start3A_38 = arith.constant 0 : i32
        %dma_start3A_39 = tpu.memref_slice %arg15[%mul3A_10, %dma_start3A_38] : memref<10112x128xf32, #tpu.memory_space<vmem_shared>> -> memref<632x128xf32, #tpu.memory_space<vmem_shared>>
        tpu.enqueue_dma source(%dma_start3A_39 : memref<632x128xf32, #tpu.memory_space<vmem_shared>>) target(%dma_start3A_37 : memref<632x128xf32, #tpu.memory_space<hbm>>) target_semaphore(%run_scoped3A : memref<!tpu.dma_semaphore, #tpu.memory_space<semaphore_mem>>)
        %dma_wait3A = arith.constant 0 : i32
        %dma_wait3A_40 = tpu.memref_slice %arg7[%add3A, %dma_wait3A] : memref<20000x128xf32, #tpu.memory_space<hbm>> -> memref<632x128xf32, #tpu.memory_space<hbm>>
        %dma_wait3A_41 = arith.constant 0 : i32
        %dma_wait3A_42 = tpu.memref_slice %arg15[%mul3A_10, %dma_wait3A_41] : memref<10112x128xf32, #tpu.memory_space<vmem_shared>> -> memref<632x128xf32, #tpu.memory_space<vmem_shared>>
        tpu.wait_dma2 semaphore(%run_scoped3A : memref<!tpu.dma_semaphore, #tpu.memory_space<semaphore_mem>>) src(%dma_wait3A_42 : memref<632x128xf32, #tpu.memory_space<vmem_shared>>) dst(%dma_wait3A_40 : memref<632x128xf32, #tpu.memory_space<hbm>>)
        tpu.yield
      }) : () -> ()
    } else {
    }
    %eq3A_15 = arith.constant 15 : i32
    %eq3A_16 = arith.cmpi eq, %arg1, %eq3A_15 : i32
    %convert_element_type3A_17 = arith.extui %eq3A_16 : i1 to i32
    %cond3A_18 = arith.constant 0 : i32
    %cond3A_19 = arith.cmpi ne, %convert_element_type3A_17, %cond3A_18 : i32
    scf.if %cond3A_19 {
      %mul3A_35 = arith.constant 10000 : i32
      %mul3A_36 = arith.muli %arg0, %mul3A_35 : i32
      %add3A = arith.constant 9480 : i32
      %add3A_37 = arith.addi %mul3A_36, %add3A : i32
      "tpu.region"() ({
        %run_scoped3A = tpu.sem_alloc : memref<!tpu.dma_semaphore, #tpu.memory_space<semaphore_mem>>
        %dma_start3A = arith.constant 0 : i32
        %dma_start3A_38 = tpu.memref_slice %arg7[%add3A_37, %dma_start3A] : memref<20000x128xf32, #tpu.memory_space<hbm>> -> memref<520x128xf32, #tpu.memory_space<hbm>>
        %dma_start3A_39 = arith.constant 9480 : i32
        %dma_start3A_40 = arith.constant 0 : i32
        %dma_start3A_41 = tpu.memref_slice %arg15[%dma_start3A_39, %dma_start3A_40] : memref<10112x128xf32, #tpu.memory_space<vmem_shared>> -> memref<520x128xf32, #tpu.memory_space<vmem_shared>>
        tpu.enqueue_dma source(%dma_start3A_41 : memref<520x128xf32, #tpu.memory_space<vmem_shared>>) target(%dma_start3A_38 : memref<520x128xf32, #tpu.memory_space<hbm>>) target_semaphore(%run_scoped3A : memref<!tpu.dma_semaphore, #tpu.memory_space<semaphore_mem>>)
        %dma_wait3A = arith.constant 0 : i32
        %dma_wait3A_42 = tpu.memref_slice %arg7[%add3A_37, %dma_wait3A] : memref<20000x128xf32, #tpu.memory_space<hbm>> -> memref<520x128xf32, #tpu.memory_space<hbm>>
        %dma_wait3A_43 = arith.constant 9480 : i32
        %dma_wait3A_44 = arith.constant 0 : i32
        %dma_wait3A_45 = tpu.memref_slice %arg15[%dma_wait3A_43, %dma_wait3A_44] : memref<10112x128xf32, #tpu.memory_space<vmem_shared>> -> memref<520x128xf32, #tpu.memory_space<vmem_shared>>
        tpu.wait_dma2 semaphore(%run_scoped3A : memref<!tpu.dma_semaphore, #tpu.memory_space<semaphore_mem>>) src(%dma_wait3A_45 : memref<520x128xf32, #tpu.memory_space<vmem_shared>>) dst(%dma_wait3A_42 : memref<520x128xf32, #tpu.memory_space<hbm>>)
        tpu.yield
      }) : () -> ()
    } else {
    }
    %eq3A_20 = arith.constant 0 : i32
    %eq3A_21 = arith.cmpi eq, %arg0, %eq3A_20 : i32
    %lt3A_22 = arith.constant 15 : i32
    %lt3A_23 = arith.cmpi slt, %arg1, %lt3A_22 : i32
    %and3A = arith.andi %eq3A_21, %lt3A_23 : i1
    %convert_element_type3A_24 = arith.extui %and3A : i1 to i32
    %cond3A_25 = arith.constant 0 : i32
    %cond3A_26 = arith.cmpi ne, %convert_element_type3A_24, %cond3A_25 : i32
    scf.if %cond3A_26 {
      "tpu.region"() ({
        %run_scoped3A = tpu.sem_alloc : memref<!tpu.dma_semaphore, #tpu.memory_space<semaphore_mem>>
        %dma_start3A = tpu.memref_slice %arg16[%mul3A_10] : memref<10112xf32, #tpu.memory_space<vmem_shared>> -> memref<632xf32, #tpu.memory_space<vmem_shared>>
        %dma_start3A_35 = tpu.memref_slice %arg16[%mul3A_10] : memref<10112xf32, #tpu.memory_space<vmem_shared>> -> memref<632xf32, #tpu.memory_space<vmem_shared>>
        tpu.enqueue_dma source(%dma_start3A_35 : memref<632xf32, #tpu.memory_space<vmem_shared>>) target(%arg14 : memref<632xf32, #tpu.memory_space<vmem>>) target_semaphore(%run_scoped3A : memref<!tpu.dma_semaphore, #tpu.memory_space<semaphore_mem>>)
        %dma_wait3A = tpu.memref_slice %arg16[%mul3A_10] : memref<10112xf32, #tpu.memory_space<vmem_shared>> -> memref<632xf32, #tpu.memory_space<vmem_shared>>
        %dma_wait3A_36 = tpu.memref_slice %arg16[%mul3A_10] : memref<10112xf32, #tpu.memory_space<vmem_shared>> -> memref<632xf32, #tpu.memory_space<vmem_shared>>
        tpu.wait_dma2 semaphore(%run_scoped3A : memref<!tpu.dma_semaphore, #tpu.memory_space<semaphore_mem>>) src(%dma_wait3A_36 : memref<632xf32, #tpu.memory_space<vmem_shared>>) dst(%arg14 : memref<632xf32, #tpu.memory_space<vmem>>)
        tpu.yield
      }) : () -> ()
      "tpu.region"() ({
        %run_scoped3A = tpu.sem_alloc : memref<!tpu.dma_semaphore, #tpu.memory_space<semaphore_mem>>
        %dma_start3A = tpu.memref_slice %arg8[%mul3A_10] : memref<10000xf32, #tpu.memory_space<hbm>> -> memref<632xf32, #tpu.memory_space<hbm>>
        %dma_start3A_35 = tpu.memref_slice %arg8[%mul3A_10] : memref<10000xf32, #tpu.memory_space<hbm>> -> memref<632xf32, #tpu.memory_space<hbm>>
        tpu.enqueue_dma source(%arg14 : memref<632xf32, #tpu.memory_space<vmem>>) target(%dma_start3A_35 : memref<632xf32, #tpu.memory_space<hbm>>) target_semaphore(%run_scoped3A : memref<!tpu.dma_semaphore, #tpu.memory_space<semaphore_mem>>)
        %dma_wait3A = tpu.memref_slice %arg8[%mul3A_10] : memref<10000xf32, #tpu.memory_space<hbm>> -> memref<632xf32, #tpu.memory_space<hbm>>
        %dma_wait3A_36 = tpu.memref_slice %arg8[%mul3A_10] : memref<10000xf32, #tpu.memory_space<hbm>> -> memref<632xf32, #tpu.memory_space<hbm>>
        tpu.wait_dma2 semaphore(%run_scoped3A : memref<!tpu.dma_semaphore, #tpu.memory_space<semaphore_mem>>) src(%arg14 : memref<632xf32, #tpu.memory_space<vmem>>) dst(%dma_wait3A_36 : memref<632xf32, #tpu.memory_space<hbm>>)
        tpu.yield
      }) : () -> ()
    } else {
    }
    %eq3A_27 = arith.constant 0 : i32
    %eq3A_28 = arith.cmpi eq, %arg0, %eq3A_27 : i32
    %eq3A_29 = arith.constant 15 : i32
    %eq3A_30 = arith.cmpi eq, %arg1, %eq3A_29 : i32
    %and3A_31 = arith.andi %eq3A_28, %eq3A_30 : i1
    %convert_element_type3A_32 = arith.extui %and3A_31 : i1 to i32
    %cond3A_33 = arith.constant 0 : i32
    %cond3A_34 = arith.cmpi ne, %convert_element_type3A_32, %cond3A_33 : i32
    scf.if %cond3A_34 {
      "tpu.region"() ({
        %run_scoped3A = tpu.sem_alloc : memref<!tpu.dma_semaphore, #tpu.memory_space<semaphore_mem>>
        %dma_start3A = arith.constant 0 : i32
        %dma_start3A_35 = tpu.memref_slice %arg14[%dma_start3A] : memref<632xf32, #tpu.memory_space<vmem>> -> memref<520xf32, #tpu.memory_space<vmem>>
        %dma_start3A_36 = arith.constant 9480 : i32
        %dma_start3A_37 = tpu.memref_slice %arg16[%dma_start3A_36] : memref<10112xf32, #tpu.memory_space<vmem_shared>> -> memref<520xf32, #tpu.memory_space<vmem_shared>>
        %dma_start3A_38 = arith.constant 0 : i32
        %dma_start3A_39 = tpu.memref_slice %arg14[%dma_start3A_38] : memref<632xf32, #tpu.memory_space<vmem>> -> memref<520xf32, #tpu.memory_space<vmem>>
        %dma_start3A_40 = arith.constant 9480 : i32
        %dma_start3A_41 = tpu.memref_slice %arg16[%dma_start3A_40] : memref<10112xf32, #tpu.memory_space<vmem_shared>> -> memref<520xf32, #tpu.memory_space<vmem_shared>>
        tpu.enqueue_dma source(%dma_start3A_41 : memref<520xf32, #tpu.memory_space<vmem_shared>>) target(%dma_start3A_39 : memref<520xf32, #tpu.memory_space<vmem>>) target_semaphore(%run_scoped3A : memref<!tpu.dma_semaphore, #tpu.memory_space<semaphore_mem>>)
        %dma_wait3A = arith.constant 0 : i32
        %dma_wait3A_42 = tpu.memref_slice %arg14[%dma_wait3A] : memref<632xf32, #tpu.memory_space<vmem>> -> memref<520xf32, #tpu.memory_space<vmem>>
        %dma_wait3A_43 = arith.constant 9480 : i32
        %dma_wait3A_44 = tpu.memref_slice %arg16[%dma_wait3A_43] : memref<10112xf32, #tpu.memory_space<vmem_shared>> -> memref<520xf32, #tpu.memory_space<vmem_shared>>
        %dma_wait3A_45 = arith.constant 0 : i32
        %dma_wait3A_46 = tpu.memref_slice %arg14[%dma_wait3A_45] : memref<632xf32, #tpu.memory_space<vmem>> -> memref<520xf32, #tpu.memory_space<vmem>>
        %dma_wait3A_47 = arith.constant 9480 : i32
        %dma_wait3A_48 = tpu.memref_slice %arg16[%dma_wait3A_47] : memref<10112xf32, #tpu.memory_space<vmem_shared>> -> memref<520xf32, #tpu.memory_space<vmem_shared>>
        tpu.wait_dma2 semaphore(%run_scoped3A : memref<!tpu.dma_semaphore, #tpu.memory_space<semaphore_mem>>) src(%dma_wait3A_48 : memref<520xf32, #tpu.memory_space<vmem_shared>>) dst(%dma_wait3A_46 : memref<520xf32, #tpu.memory_space<vmem>>)
        tpu.yield
      }) : () -> ()
      "tpu.region"() ({
        %run_scoped3A = tpu.sem_alloc : memref<!tpu.dma_semaphore, #tpu.memory_space<semaphore_mem>>
        %dma_start3A = arith.constant 0 : i32
        %dma_start3A_35 = tpu.memref_slice %arg14[%dma_start3A] : memref<632xf32, #tpu.memory_space<vmem>> -> memref<520xf32, #tpu.memory_space<vmem>>
        %dma_start3A_36 = arith.constant 9480 : i32
        %dma_start3A_37 = tpu.memref_slice %arg8[%dma_start3A_36] : memref<10000xf32, #tpu.memory_space<hbm>> -> memref<520xf32, #tpu.memory_space<hbm>>
        %dma_start3A_38 = arith.constant 9480 : i32
        %dma_start3A_39 = tpu.memref_slice %arg8[%dma_start3A_38] : memref<10000xf32, #tpu.memory_space<hbm>> -> memref<520xf32, #tpu.memory_space<hbm>>
        %dma_start3A_40 = arith.constant 0 : i32
        %dma_start3A_41 = tpu.memref_slice %arg14[%dma_start3A_40] : memref<632xf32, #tpu.memory_space<vmem>> -> memref<520xf32, #tpu.memory_space<vmem>>
        tpu.enqueue_dma source(%dma_start3A_41 : memref<520xf32, #tpu.memory_space<vmem>>) target(%dma_start3A_39 : memref<520xf32, #tpu.memory_space<hbm>>) target_semaphore(%run_scoped3A : memref<!tpu.dma_semaphore, #tpu.memory_space<semaphore_mem>>)
        %dma_wait3A = arith.constant 0 : i32
        %dma_wait3A_42 = tpu.memref_slice %arg14[%dma_wait3A] : memref<632xf32, #tpu.memory_space<vmem>> -> memref<520xf32, #tpu.memory_space<vmem>>
        %dma_wait3A_43 = arith.constant 9480 : i32
        %dma_wait3A_44 = tpu.memref_slice %arg8[%dma_wait3A_43] : memref<10000xf32, #tpu.memory_space<hbm>> -> memref<520xf32, #tpu.memory_space<hbm>>
        %dma_wait3A_45 = arith.constant 9480 : i32
        %dma_wait3A_46 = tpu.memref_slice %arg8[%dma_wait3A_45] : memref<10000xf32, #tpu.memory_space<hbm>> -> memref<520xf32, #tpu.memory_space<hbm>>
        %dma_wait3A_47 = arith.constant 0 : i32
        %dma_wait3A_48 = tpu.memref_slice %arg14[%dma_wait3A_47] : memref<632xf32, #tpu.memory_space<vmem>> -> memref<520xf32, #tpu.memory_space<vmem>>
        tpu.wait_dma2 semaphore(%run_scoped3A : memref<!tpu.dma_semaphore, #tpu.memory_space<semaphore_mem>>) src(%dma_wait3A_48 : memref<520xf32, #tpu.memory_space<vmem>>) dst(%dma_wait3A_46 : memref<520xf32, #tpu.memory_space<hbm>>)
        tpu.yield
      }) : () -> ()
    } else {
    }
    return
  }
}

#map = affine_map<(d0, d1) -> (0, 0)>
#map1 = affine_map<(d0, d1) -> (0, 0, 0, 0)>
#map2 = affine_map<(d0, d1) -> (0, 0, 0)>
module attributes {stable_mosaic.version = 14 : i64} {
  func.func @body(%arg0: i32, %arg1: i32, %arg2: memref<20000x128xf32, #tpu.memory_space<hbm>>, %arg3: memref<2x16x79x128xi32, #tpu.memory_space<hbm>>, %arg4: memref<16x79x128xi32, #tpu.memory_space<hbm>>, %arg5: memref<10112x128xf32, #tpu.memory_space<hbm>>, %arg6: memref<2x128xf32, #tpu.memory_space<hbm>>, %arg7: memref<20000x128xf32, #tpu.memory_space<hbm>>, %arg8: memref<79x128xi32, #tpu.memory_space<vmem>>, %arg9: memref<79x128xi32, #tpu.memory_space<vmem>>, %arg10: memref<128x128xf32, #tpu.memory_space<vmem>>, %arg11: memref<128xf32, #tpu.memory_space<vmem>>, %arg12: memref<128xf32, #tpu.memory_space<vmem>>, %arg13: memref<632xf32, #tpu.memory_space<vmem>>, %arg14: memref<10112x128xf32, #tpu.memory_space<vmem_shared>>, %arg15: memref<10112xf32, #tpu.memory_space<vmem_shared>>, %arg16: memref<!tpu.dma_semaphore, #tpu.memory_space<semaphore_mem>>, %arg17: memref<!tpu.dma_semaphore, #tpu.memory_space<semaphore_mem>>) attributes {dimension_semantics = [#tpu.dimension_semantics<core_parallel>, #tpu.dimension_semantics<subcore_parallel>], iteration_bounds = array<i64: 2, 16>, scalar_prefetch = 0 : i64, scratch_operands = 10 : i64, tpu.core_type = #tpu.core_type<sc_vector_subcore>, window_params = [{transform_indices = #map}, {transform_indices = #map1}, {transform_indices = #map2}, {transform_indices = #map}, {transform_indices = #map}, {transform_indices = #map}]} {
    %mul3A = arith.constant 632 : i32
    %mul3A_0 = arith.muli %arg1, %mul3A : i32
    "tpu.region"() ({
      %run_scoped3A = tpu.sem_alloc : memref<!tpu.dma_semaphore, #tpu.memory_space<semaphore_mem>>
      %dma_start3A = arith.constant 0 : i32
      %dma_start3A_15 = tpu.memref_slice %arg14[%mul3A_0, %dma_start3A] : memref<10112x128xf32, #tpu.memory_space<vmem_shared>> -> memref<632x128xf32, #tpu.memory_space<vmem_shared>>
      %dma_start3A_16 = arith.constant 0 : i32
      %dma_start3A_17 = tpu.memref_slice %arg5[%mul3A_0, %dma_start3A_16] : memref<10112x128xf32, #tpu.memory_space<hbm>> -> memref<632x128xf32, #tpu.memory_space<hbm>>
      tpu.enqueue_dma source(%dma_start3A_17 : memref<632x128xf32, #tpu.memory_space<hbm>>) target(%dma_start3A_15 : memref<632x128xf32, #tpu.memory_space<vmem_shared>>) target_semaphore(%run_scoped3A : memref<!tpu.dma_semaphore, #tpu.memory_space<semaphore_mem>>)
      %dma_wait3A = arith.constant 0 : i32
      %dma_wait3A_18 = tpu.memref_slice %arg14[%mul3A_0, %dma_wait3A] : memref<10112x128xf32, #tpu.memory_space<vmem_shared>> -> memref<632x128xf32, #tpu.memory_space<vmem_shared>>
      %dma_wait3A_19 = arith.constant 0 : i32
      %dma_wait3A_20 = tpu.memref_slice %arg5[%mul3A_0, %dma_wait3A_19] : memref<10112x128xf32, #tpu.memory_space<hbm>> -> memref<632x128xf32, #tpu.memory_space<hbm>>
      tpu.wait_dma2 semaphore(%run_scoped3A : memref<!tpu.dma_semaphore, #tpu.memory_space<semaphore_mem>>) src(%dma_wait3A_20 : memref<632x128xf32, #tpu.memory_space<hbm>>) dst(%dma_wait3A_18 : memref<632x128xf32, #tpu.memory_space<vmem_shared>>)
      tpu.yield
    }) : () -> ()
    %barrier3A = arith.constant 0 : index
    tpu.barrier barrier_id(%barrier3A)
    "tpu.region"() ({
      %run_scoped3A = tpu.sem_alloc : memref<!tpu.dma_semaphore, #tpu.memory_space<semaphore_mem>>
      %dma_start3A = arith.constant 0 : i32
      %dma_start3A_15 = arith.constant 0 : i32
      %dma_start3A_16 = tpu.memref_slice %arg3[%arg0, %arg1, %dma_start3A, %dma_start3A_15] : memref<2x16x79x128xi32, #tpu.memory_space<hbm>> -> memref<1x1x79x128xi32, #tpu.memory_space<hbm>>
      %dma_start3A_17 = tpu.memref_squeeze %dma_start3A_16 : memref<1x1x79x128xi32, #tpu.memory_space<hbm>> -> memref<79x128xi32, #tpu.memory_space<hbm>>
      %dma_start3A_18 = arith.constant 0 : i32
      %dma_start3A_19 = arith.constant 0 : i32
      %dma_start3A_20 = tpu.memref_slice %arg3[%arg0, %arg1, %dma_start3A_18, %dma_start3A_19] : memref<2x16x79x128xi32, #tpu.memory_space<hbm>> -> memref<1x1x79x128xi32, #tpu.memory_space<hbm>>
      %dma_start3A_21 = tpu.memref_squeeze %dma_start3A_20 : memref<1x1x79x128xi32, #tpu.memory_space<hbm>> -> memref<79x128xi32, #tpu.memory_space<hbm>>
      tpu.enqueue_dma source(%dma_start3A_21 : memref<79x128xi32, #tpu.memory_space<hbm>>) target(%arg8 : memref<79x128xi32, #tpu.memory_space<vmem>>) target_semaphore(%run_scoped3A : memref<!tpu.dma_semaphore, #tpu.memory_space<semaphore_mem>>)
      %dma_wait3A = arith.constant 0 : i32
      %dma_wait3A_22 = arith.constant 0 : i32
      %dma_wait3A_23 = tpu.memref_slice %arg3[%arg0, %arg1, %dma_wait3A, %dma_wait3A_22] : memref<2x16x79x128xi32, #tpu.memory_space<hbm>> -> memref<1x1x79x128xi32, #tpu.memory_space<hbm>>
      %dma_wait3A_24 = tpu.memref_squeeze %dma_wait3A_23 : memref<1x1x79x128xi32, #tpu.memory_space<hbm>> -> memref<79x128xi32, #tpu.memory_space<hbm>>
      %dma_wait3A_25 = arith.constant 0 : i32
      %dma_wait3A_26 = arith.constant 0 : i32
      %dma_wait3A_27 = tpu.memref_slice %arg3[%arg0, %arg1, %dma_wait3A_25, %dma_wait3A_26] : memref<2x16x79x128xi32, #tpu.memory_space<hbm>> -> memref<1x1x79x128xi32, #tpu.memory_space<hbm>>
      %dma_wait3A_28 = tpu.memref_squeeze %dma_wait3A_27 : memref<1x1x79x128xi32, #tpu.memory_space<hbm>> -> memref<79x128xi32, #tpu.memory_space<hbm>>
      tpu.wait_dma2 semaphore(%run_scoped3A : memref<!tpu.dma_semaphore, #tpu.memory_space<semaphore_mem>>) src(%dma_wait3A_28 : memref<79x128xi32, #tpu.memory_space<hbm>>) dst(%arg8 : memref<79x128xi32, #tpu.memory_space<vmem>>)
      tpu.yield
    }) : () -> ()
    "tpu.region"() ({
      %run_scoped3A = tpu.sem_alloc : memref<!tpu.dma_semaphore, #tpu.memory_space<semaphore_mem>>
      %dma_start3A = arith.constant 0 : i32
      %dma_start3A_15 = arith.constant 0 : i32
      %dma_start3A_16 = tpu.memref_slice %arg4[%arg1, %dma_start3A, %dma_start3A_15] : memref<16x79x128xi32, #tpu.memory_space<hbm>> -> memref<1x79x128xi32, #tpu.memory_space<hbm>>
      %dma_start3A_17 = tpu.memref_squeeze %dma_start3A_16 : memref<1x79x128xi32, #tpu.memory_space<hbm>> -> memref<79x128xi32, #tpu.memory_space<hbm>>
      %dma_start3A_18 = arith.constant 0 : i32
      %dma_start3A_19 = arith.constant 0 : i32
      %dma_start3A_20 = tpu.memref_slice %arg4[%arg1, %dma_start3A_18, %dma_start3A_19] : memref<16x79x128xi32, #tpu.memory_space<hbm>> -> memref<1x79x128xi32, #tpu.memory_space<hbm>>
      %dma_start3A_21 = tpu.memref_squeeze %dma_start3A_20 : memref<1x79x128xi32, #tpu.memory_space<hbm>> -> memref<79x128xi32, #tpu.memory_space<hbm>>
      tpu.enqueue_dma source(%dma_start3A_21 : memref<79x128xi32, #tpu.memory_space<hbm>>) target(%arg9 : memref<79x128xi32, #tpu.memory_space<vmem>>) target_semaphore(%run_scoped3A : memref<!tpu.dma_semaphore, #tpu.memory_space<semaphore_mem>>)
      %dma_wait3A = arith.constant 0 : i32
      %dma_wait3A_22 = arith.constant 0 : i32
      %dma_wait3A_23 = tpu.memref_slice %arg4[%arg1, %dma_wait3A, %dma_wait3A_22] : memref<16x79x128xi32, #tpu.memory_space<hbm>> -> memref<1x79x128xi32, #tpu.memory_space<hbm>>
      %dma_wait3A_24 = tpu.memref_squeeze %dma_wait3A_23 : memref<1x79x128xi32, #tpu.memory_space<hbm>> -> memref<79x128xi32, #tpu.memory_space<hbm>>
      %dma_wait3A_25 = arith.constant 0 : i32
      %dma_wait3A_26 = arith.constant 0 : i32
      %dma_wait3A_27 = tpu.memref_slice %arg4[%arg1, %dma_wait3A_25, %dma_wait3A_26] : memref<16x79x128xi32, #tpu.memory_space<hbm>> -> memref<1x79x128xi32, #tpu.memory_space<hbm>>
      %dma_wait3A_28 = tpu.memref_squeeze %dma_wait3A_27 : memref<1x79x128xi32, #tpu.memory_space<hbm>> -> memref<79x128xi32, #tpu.memory_space<hbm>>
      tpu.wait_dma2 semaphore(%run_scoped3A : memref<!tpu.dma_semaphore, #tpu.memory_space<semaphore_mem>>) src(%dma_wait3A_28 : memref<79x128xi32, #tpu.memory_space<hbm>>) dst(%arg9 : memref<79x128xi32, #tpu.memory_space<vmem>>)
      tpu.yield
    }) : () -> ()
    %scan3A = arith.constant 0 : i32
    %scan3A_1 = arith.constant 0 : i32
    %scan3A_2 = arith.constant 79 : i32
    %scan3A_3 = arith.addi %scan3A_1, %scan3A_2 : i32
    %scan3A_4 = arith.constant 1 : i32
    scf.for %scan3A_15 = %scan3A_1 to %scan3A_3 step %scan3A_4  : i32 {
      %dma_start3A = arith.constant 0 : i32
      %dma_start3A_16 = tpu.memref_slice %arg8[%scan3A_15, %dma_start3A] : memref<79x128xi32, #tpu.memory_space<vmem>> -> memref<1x128xi32, #tpu.memory_space<vmem>>
      %dma_start3A_17 = tpu.memref_squeeze %dma_start3A_16 : memref<1x128xi32, #tpu.memory_space<vmem>> -> memref<128xi32, #tpu.memory_space<vmem>>
      %dma_start3A_18 = arith.constant 0 : i32
      %dma_start3A_19 = arith.constant 0 : i32
      %dma_start3A_20 = tpu.memref_slice %arg2[%dma_start3A_18, %dma_start3A_19] : memref<20000x128xf32, #tpu.memory_space<hbm>> -> memref<20000x128xf32, #tpu.memory_space<hbm>>
      tpu.enqueue_indirect_dma source(%dma_start3A_20 : memref<20000x128xf32, #tpu.memory_space<hbm>>) target(%arg10 : memref<128x128xf32, #tpu.memory_space<vmem>>) offsets(%dma_start3A_17 : memref<128xi32, #tpu.memory_space<vmem>>) semaphore(%arg16 : memref<!tpu.dma_semaphore, #tpu.memory_space<semaphore_mem>>)
      %dma_wait3A = arith.constant 0 : i32
      %dma_wait3A_21 = tpu.memref_slice %arg8[%scan3A_15, %dma_wait3A] : memref<79x128xi32, #tpu.memory_space<vmem>> -> memref<1x128xi32, #tpu.memory_space<vmem>>
      %dma_wait3A_22 = tpu.memref_squeeze %dma_wait3A_21 : memref<1x128xi32, #tpu.memory_space<vmem>> -> memref<128xi32, #tpu.memory_space<vmem>>
      %dma_wait3A_23 = arith.constant 0 : i32
      %dma_wait3A_24 = arith.constant 0 : i32
      %dma_wait3A_25 = tpu.memref_slice %arg2[%dma_wait3A_23, %dma_wait3A_24] : memref<20000x128xf32, #tpu.memory_space<hbm>> -> memref<20000x128xf32, #tpu.memory_space<hbm>>
      tpu.wait_indirect_dma semaphore(%arg16 : memref<!tpu.dma_semaphore, #tpu.memory_space<semaphore_mem>>) src(%dma_wait3A_25 : memref<20000x128xf32, #tpu.memory_space<hbm>>) dst(%arg10 : memref<128x128xf32, #tpu.memory_space<vmem>>)
      "tpu.region"() ({
        %run_scoped3A = tpu.sem_alloc : memref<!tpu.dma_semaphore, #tpu.memory_space<semaphore_mem>>
        %dma_start3A_26 = arith.constant 0 : i32
        %dma_start3A_27 = tpu.memref_slice %arg9[%scan3A_15, %dma_start3A_26] : memref<79x128xi32, #tpu.memory_space<vmem>> -> memref<1x128xi32, #tpu.memory_space<vmem>>
        %dma_start3A_28 = tpu.memref_squeeze %dma_start3A_27 : memref<1x128xi32, #tpu.memory_space<vmem>> -> memref<128xi32, #tpu.memory_space<vmem>>
        %dma_start3A_29 = arith.constant 0 : i32
        %dma_start3A_30 = arith.constant 0 : i32
        %dma_start3A_31 = tpu.memref_slice %arg14[%dma_start3A_29, %dma_start3A_30] : memref<10112x128xf32, #tpu.memory_space<vmem_shared>> -> memref<10112x128xf32, #tpu.memory_space<vmem_shared>>
        tpu.enqueue_indirect_dma source(%arg10 : memref<128x128xf32, #tpu.memory_space<vmem>>) target(%dma_start3A_31 : memref<10112x128xf32, #tpu.memory_space<vmem_shared>>) offsets(%dma_start3A_28 : memref<128xi32, #tpu.memory_space<vmem>>) semaphore(%run_scoped3A : memref<!tpu.dma_semaphore, #tpu.memory_space<semaphore_mem>>) {add = true}
        %dma_wait3A_32 = arith.constant 0 : i32
        %dma_wait3A_33 = tpu.memref_slice %arg9[%scan3A_15, %dma_wait3A_32] : memref<79x128xi32, #tpu.memory_space<vmem>> -> memref<1x128xi32, #tpu.memory_space<vmem>>
        %dma_wait3A_34 = tpu.memref_squeeze %dma_wait3A_33 : memref<1x128xi32, #tpu.memory_space<vmem>> -> memref<128xi32, #tpu.memory_space<vmem>>
        %dma_wait3A_35 = arith.constant 0 : i32
        %dma_wait3A_36 = arith.constant 0 : i32
        %dma_wait3A_37 = tpu.memref_slice %arg14[%dma_wait3A_35, %dma_wait3A_36] : memref<10112x128xf32, #tpu.memory_space<vmem_shared>> -> memref<10112x128xf32, #tpu.memory_space<vmem_shared>>
        tpu.wait_indirect_dma semaphore(%run_scoped3A : memref<!tpu.dma_semaphore, #tpu.memory_space<semaphore_mem>>) src(%arg10 : memref<128x128xf32, #tpu.memory_space<vmem>>) dst(%dma_wait3A_37 : memref<10112x128xf32, #tpu.memory_space<vmem_shared>>)
        tpu.yield
      }) : () -> ()
    }
    %scan3A_5 = arith.constant 79 : i32
    %barrier3A_6 = arith.constant 0 : index
    tpu.barrier barrier_id(%barrier3A_6)
    %mul3A_7 = arith.constant 632 : i32
    %mul3A_8 = arith.muli %arg1, %mul3A_7 : i32
    %lt3A = arith.constant 15 : i32
    %lt3A_9 = arith.cmpi slt, %arg1, %lt3A : i32
    %convert_element_type3A = arith.extui %lt3A_9 : i1 to i32
    %cond3A = arith.constant 0 : i32
    %cond3A_10 = arith.cmpi ne, %convert_element_type3A, %cond3A : i32
    scf.if %cond3A_10 {
      %mul3A_15 = arith.constant 10000 : i32
      %mul3A_16 = arith.muli %arg0, %mul3A_15 : i32
      %add3A = arith.addi %mul3A_16, %mul3A_8 : i32
      "tpu.region"() ({
        %run_scoped3A = tpu.sem_alloc : memref<!tpu.dma_semaphore, #tpu.memory_space<semaphore_mem>>
        %dma_start3A = arith.constant 0 : i32
        %dma_start3A_17 = tpu.memref_slice %arg7[%add3A, %dma_start3A] : memref<20000x128xf32, #tpu.memory_space<hbm>> -> memref<632x128xf32, #tpu.memory_space<hbm>>
        %dma_start3A_18 = arith.constant 0 : i32
        %dma_start3A_19 = tpu.memref_slice %arg14[%mul3A_8, %dma_start3A_18] : memref<10112x128xf32, #tpu.memory_space<vmem_shared>> -> memref<632x128xf32, #tpu.memory_space<vmem_shared>>
        tpu.enqueue_dma source(%dma_start3A_19 : memref<632x128xf32, #tpu.memory_space<vmem_shared>>) target(%dma_start3A_17 : memref<632x128xf32, #tpu.memory_space<hbm>>) target_semaphore(%run_scoped3A : memref<!tpu.dma_semaphore, #tpu.memory_space<semaphore_mem>>)
        %dma_wait3A = arith.constant 0 : i32
        %dma_wait3A_20 = tpu.memref_slice %arg7[%add3A, %dma_wait3A] : memref<20000x128xf32, #tpu.memory_space<hbm>> -> memref<632x128xf32, #tpu.memory_space<hbm>>
        %dma_wait3A_21 = arith.constant 0 : i32
        %dma_wait3A_22 = tpu.memref_slice %arg14[%mul3A_8, %dma_wait3A_21] : memref<10112x128xf32, #tpu.memory_space<vmem_shared>> -> memref<632x128xf32, #tpu.memory_space<vmem_shared>>
        tpu.wait_dma2 semaphore(%run_scoped3A : memref<!tpu.dma_semaphore, #tpu.memory_space<semaphore_mem>>) src(%dma_wait3A_22 : memref<632x128xf32, #tpu.memory_space<vmem_shared>>) dst(%dma_wait3A_20 : memref<632x128xf32, #tpu.memory_space<hbm>>)
        tpu.yield
      }) : () -> ()
    } else {
    }
    %eq3A = arith.constant 15 : i32
    %eq3A_11 = arith.cmpi eq, %arg1, %eq3A : i32
    %convert_element_type3A_12 = arith.extui %eq3A_11 : i1 to i32
    %cond3A_13 = arith.constant 0 : i32
    %cond3A_14 = arith.cmpi ne, %convert_element_type3A_12, %cond3A_13 : i32
    scf.if %cond3A_14 {
      %mul3A_15 = arith.constant 10000 : i32
      %mul3A_16 = arith.muli %arg0, %mul3A_15 : i32
      %add3A = arith.constant 9480 : i32
      %add3A_17 = arith.addi %mul3A_16, %add3A : i32
      "tpu.region"() ({
        %run_scoped3A = tpu.sem_alloc : memref<!tpu.dma_semaphore, #tpu.memory_space<semaphore_mem>>
        %dma_start3A = arith.constant 0 : i32
        %dma_start3A_18 = tpu.memref_slice %arg7[%add3A_17, %dma_start3A] : memref<20000x128xf32, #tpu.memory_space<hbm>> -> memref<520x128xf32, #tpu.memory_space<hbm>>
        %dma_start3A_19 = arith.constant 9480 : i32
        %dma_start3A_20 = arith.constant 0 : i32
        %dma_start3A_21 = tpu.memref_slice %arg14[%dma_start3A_19, %dma_start3A_20] : memref<10112x128xf32, #tpu.memory_space<vmem_shared>> -> memref<520x128xf32, #tpu.memory_space<vmem_shared>>
        tpu.enqueue_dma source(%dma_start3A_21 : memref<520x128xf32, #tpu.memory_space<vmem_shared>>) target(%dma_start3A_18 : memref<520x128xf32, #tpu.memory_space<hbm>>) target_semaphore(%run_scoped3A : memref<!tpu.dma_semaphore, #tpu.memory_space<semaphore_mem>>)
        %dma_wait3A = arith.constant 0 : i32
        %dma_wait3A_22 = tpu.memref_slice %arg7[%add3A_17, %dma_wait3A] : memref<20000x128xf32, #tpu.memory_space<hbm>> -> memref<520x128xf32, #tpu.memory_space<hbm>>
        %dma_wait3A_23 = arith.constant 9480 : i32
        %dma_wait3A_24 = arith.constant 0 : i32
        %dma_wait3A_25 = tpu.memref_slice %arg14[%dma_wait3A_23, %dma_wait3A_24] : memref<10112x128xf32, #tpu.memory_space<vmem_shared>> -> memref<520x128xf32, #tpu.memory_space<vmem_shared>>
        tpu.wait_dma2 semaphore(%run_scoped3A : memref<!tpu.dma_semaphore, #tpu.memory_space<semaphore_mem>>) src(%dma_wait3A_25 : memref<520x128xf32, #tpu.memory_space<vmem_shared>>) dst(%dma_wait3A_22 : memref<520x128xf32, #tpu.memory_space<hbm>>)
        tpu.yield
      }) : () -> ()
    } else {
    }
    return
  }
}

#map = affine_map<(d0, d1) -> (0, 0)>
#map1 = affine_map<(d0, d1) -> (0, 0, 0, 0)>
#map2 = affine_map<(d0, d1) -> (0, 0, 0)>
module attributes {stable_mosaic.version = 14 : i64} {
  func.func @body(%arg0: i32, %arg1: i32, %arg2: memref<20000x128xf32, #tpu.memory_space<hbm>>, %arg3: memref<2x16x79x128xi32, #tpu.memory_space<hbm>>, %arg4: memref<16x79x128xi32, #tpu.memory_space<hbm>>, %arg5: memref<10112x128xf32, #tpu.memory_space<hbm>>, %arg6: memref<2x128xf32, #tpu.memory_space<hbm>>, %arg7: memref<20000x128xf32, #tpu.memory_space<hbm>>, %arg8: memref<79x128xi32, #tpu.memory_space<vmem>>, %arg9: memref<79x128xi32, #tpu.memory_space<vmem>>, %arg10: memref<128x128xf32, #tpu.memory_space<vmem>>, %arg11: memref<128xf32, #tpu.memory_space<vmem>>, %arg12: memref<128xf32, #tpu.memory_space<vmem>>, %arg13: memref<632xf32, #tpu.memory_space<vmem>>, %arg14: memref<10112x128xf32, #tpu.memory_space<vmem_shared>>, %arg15: memref<10112xf32, #tpu.memory_space<vmem_shared>>, %arg16: memref<!tpu.dma_semaphore, #tpu.memory_space<semaphore_mem>>, %arg17: memref<!tpu.dma_semaphore, #tpu.memory_space<semaphore_mem>>) attributes {dimension_semantics = [#tpu.dimension_semantics<core_parallel>, #tpu.dimension_semantics<subcore_parallel>], iteration_bounds = array<i64: 2, 16>, scalar_prefetch = 0 : i64, scratch_operands = 10 : i64, tpu.core_type = #tpu.core_type<sc_vector_subcore>, window_params = [{transform_indices = #map}, {transform_indices = #map1}, {transform_indices = #map2}, {transform_indices = #map}, {transform_indices = #map}, {transform_indices = #map}]} {
    %mul3A = arith.constant 632 : i32
    %mul3A_0 = arith.muli %arg1, %mul3A : i32
    "tpu.region"() ({
      %run_scoped3A = tpu.sem_alloc : memref<!tpu.dma_semaphore, #tpu.memory_space<semaphore_mem>>
      %dma_start3A = arith.constant 0 : i32
      %dma_start3A_15 = tpu.memref_slice %arg14[%mul3A_0, %dma_start3A] : memref<10112x128xf32, #tpu.memory_space<vmem_shared>> -> memref<632x128xf32, #tpu.memory_space<vmem_shared>>
      %dma_start3A_16 = arith.constant 0 : i32
      %dma_start3A_17 = tpu.memref_slice %arg5[%mul3A_0, %dma_start3A_16] : memref<10112x128xf32, #tpu.memory_space<hbm>> -> memref<632x128xf32, #tpu.memory_space<hbm>>
      tpu.enqueue_dma source(%dma_start3A_17 : memref<632x128xf32, #tpu.memory_space<hbm>>) target(%dma_start3A_15 : memref<632x128xf32, #tpu.memory_space<vmem_shared>>) target_semaphore(%run_scoped3A : memref<!tpu.dma_semaphore, #tpu.memory_space<semaphore_mem>>)
      %dma_wait3A = arith.constant 0 : i32
      %dma_wait3A_18 = tpu.memref_slice %arg14[%mul3A_0, %dma_wait3A] : memref<10112x128xf32, #tpu.memory_space<vmem_shared>> -> memref<632x128xf32, #tpu.memory_space<vmem_shared>>
      %dma_wait3A_19 = arith.constant 0 : i32
      %dma_wait3A_20 = tpu.memref_slice %arg5[%mul3A_0, %dma_wait3A_19] : memref<10112x128xf32, #tpu.memory_space<hbm>> -> memref<632x128xf32, #tpu.memory_space<hbm>>
      tpu.wait_dma2 semaphore(%run_scoped3A : memref<!tpu.dma_semaphore, #tpu.memory_space<semaphore_mem>>) src(%dma_wait3A_20 : memref<632x128xf32, #tpu.memory_space<hbm>>) dst(%dma_wait3A_18 : memref<632x128xf32, #tpu.memory_space<vmem_shared>>)
      tpu.yield
    }) : () -> ()
    %barrier3A = arith.constant 0 : index
    tpu.barrier barrier_id(%barrier3A)
    "tpu.region"() ({
      %run_scoped3A = tpu.sem_alloc : memref<!tpu.dma_semaphore, #tpu.memory_space<semaphore_mem>>
      %dma_start3A = arith.constant 0 : i32
      %dma_start3A_15 = arith.constant 0 : i32
      %dma_start3A_16 = tpu.memref_slice %arg3[%arg0, %arg1, %dma_start3A, %dma_start3A_15] : memref<2x16x79x128xi32, #tpu.memory_space<hbm>> -> memref<1x1x79x128xi32, #tpu.memory_space<hbm>>
      %dma_start3A_17 = tpu.memref_squeeze %dma_start3A_16 : memref<1x1x79x128xi32, #tpu.memory_space<hbm>> -> memref<79x128xi32, #tpu.memory_space<hbm>>
      %dma_start3A_18 = arith.constant 0 : i32
      %dma_start3A_19 = arith.constant 0 : i32
      %dma_start3A_20 = tpu.memref_slice %arg3[%arg0, %arg1, %dma_start3A_18, %dma_start3A_19] : memref<2x16x79x128xi32, #tpu.memory_space<hbm>> -> memref<1x1x79x128xi32, #tpu.memory_space<hbm>>
      %dma_start3A_21 = tpu.memref_squeeze %dma_start3A_20 : memref<1x1x79x128xi32, #tpu.memory_space<hbm>> -> memref<79x128xi32, #tpu.memory_space<hbm>>
      tpu.enqueue_dma source(%dma_start3A_21 : memref<79x128xi32, #tpu.memory_space<hbm>>) target(%arg8 : memref<79x128xi32, #tpu.memory_space<vmem>>) target_semaphore(%run_scoped3A : memref<!tpu.dma_semaphore, #tpu.memory_space<semaphore_mem>>)
      %dma_wait3A = arith.constant 0 : i32
      %dma_wait3A_22 = arith.constant 0 : i32
      %dma_wait3A_23 = tpu.memref_slice %arg3[%arg0, %arg1, %dma_wait3A, %dma_wait3A_22] : memref<2x16x79x128xi32, #tpu.memory_space<hbm>> -> memref<1x1x79x128xi32, #tpu.memory_space<hbm>>
      %dma_wait3A_24 = tpu.memref_squeeze %dma_wait3A_23 : memref<1x1x79x128xi32, #tpu.memory_space<hbm>> -> memref<79x128xi32, #tpu.memory_space<hbm>>
      %dma_wait3A_25 = arith.constant 0 : i32
      %dma_wait3A_26 = arith.constant 0 : i32
      %dma_wait3A_27 = tpu.memref_slice %arg3[%arg0, %arg1, %dma_wait3A_25, %dma_wait3A_26] : memref<2x16x79x128xi32, #tpu.memory_space<hbm>> -> memref<1x1x79x128xi32, #tpu.memory_space<hbm>>
      %dma_wait3A_28 = tpu.memref_squeeze %dma_wait3A_27 : memref<1x1x79x128xi32, #tpu.memory_space<hbm>> -> memref<79x128xi32, #tpu.memory_space<hbm>>
      tpu.wait_dma2 semaphore(%run_scoped3A : memref<!tpu.dma_semaphore, #tpu.memory_space<semaphore_mem>>) src(%dma_wait3A_28 : memref<79x128xi32, #tpu.memory_space<hbm>>) dst(%arg8 : memref<79x128xi32, #tpu.memory_space<vmem>>)
      tpu.yield
    }) : () -> ()
    "tpu.region"() ({
      %run_scoped3A = tpu.sem_alloc : memref<!tpu.dma_semaphore, #tpu.memory_space<semaphore_mem>>
      %dma_start3A = arith.constant 0 : i32
      %dma_start3A_15 = arith.constant 0 : i32
      %dma_start3A_16 = tpu.memref_slice %arg4[%arg1, %dma_start3A, %dma_start3A_15] : memref<16x79x128xi32, #tpu.memory_space<hbm>> -> memref<1x79x128xi32, #tpu.memory_space<hbm>>
      %dma_start3A_17 = tpu.memref_squeeze %dma_start3A_16 : memref<1x79x128xi32, #tpu.memory_space<hbm>> -> memref<79x128xi32, #tpu.memory_space<hbm>>
      %dma_start3A_18 = arith.constant 0 : i32
      %dma_start3A_19 = arith.constant 0 : i32
      %dma_start3A_20 = tpu.memref_slice %arg4[%arg1, %dma_start3A_18, %dma_start3A_19] : memref<16x79x128xi32, #tpu.memory_space<hbm>> -> memref<1x79x128xi32, #tpu.memory_space<hbm>>
      %dma_start3A_21 = tpu.memref_squeeze %dma_start3A_20 : memref<1x79x128xi32, #tpu.memory_space<hbm>> -> memref<79x128xi32, #tpu.memory_space<hbm>>
      tpu.enqueue_dma source(%dma_start3A_21 : memref<79x128xi32, #tpu.memory_space<hbm>>) target(%arg9 : memref<79x128xi32, #tpu.memory_space<vmem>>) target_semaphore(%run_scoped3A : memref<!tpu.dma_semaphore, #tpu.memory_space<semaphore_mem>>)
      %dma_wait3A = arith.constant 0 : i32
      %dma_wait3A_22 = arith.constant 0 : i32
      %dma_wait3A_23 = tpu.memref_slice %arg4[%arg1, %dma_wait3A, %dma_wait3A_22] : memref<16x79x128xi32, #tpu.memory_space<hbm>> -> memref<1x79x128xi32, #tpu.memory_space<hbm>>
      %dma_wait3A_24 = tpu.memref_squeeze %dma_wait3A_23 : memref<1x79x128xi32, #tpu.memory_space<hbm>> -> memref<79x128xi32, #tpu.memory_space<hbm>>
      %dma_wait3A_25 = arith.constant 0 : i32
      %dma_wait3A_26 = arith.constant 0 : i32
      %dma_wait3A_27 = tpu.memref_slice %arg4[%arg1, %dma_wait3A_25, %dma_wait3A_26] : memref<16x79x128xi32, #tpu.memory_space<hbm>> -> memref<1x79x128xi32, #tpu.memory_space<hbm>>
      %dma_wait3A_28 = tpu.memref_squeeze %dma_wait3A_27 : memref<1x79x128xi32, #tpu.memory_space<hbm>> -> memref<79x128xi32, #tpu.memory_space<hbm>>
      tpu.wait_dma2 semaphore(%run_scoped3A : memref<!tpu.dma_semaphore, #tpu.memory_space<semaphore_mem>>) src(%dma_wait3A_28 : memref<79x128xi32, #tpu.memory_space<hbm>>) dst(%arg9 : memref<79x128xi32, #tpu.memory_space<vmem>>)
      tpu.yield
    }) : () -> ()
    %scan3A = arith.constant 0 : i32
    %scan3A_1 = arith.constant 0 : i32
    %scan3A_2 = arith.constant 79 : i32
    %scan3A_3 = arith.addi %scan3A_1, %scan3A_2 : i32
    %scan3A_4 = arith.constant 1 : i32
    scf.for %scan3A_15 = %scan3A_1 to %scan3A_3 step %scan3A_4  : i32 {
      %dma_start3A = arith.constant 0 : i32
      %dma_start3A_16 = tpu.memref_slice %arg8[%scan3A_15, %dma_start3A] : memref<79x128xi32, #tpu.memory_space<vmem>> -> memref<1x128xi32, #tpu.memory_space<vmem>>
      %dma_start3A_17 = tpu.memref_squeeze %dma_start3A_16 : memref<1x128xi32, #tpu.memory_space<vmem>> -> memref<128xi32, #tpu.memory_space<vmem>>
      %dma_start3A_18 = arith.constant 0 : i32
      %dma_start3A_19 = arith.constant 0 : i32
      %dma_start3A_20 = tpu.memref_slice %arg2[%dma_start3A_18, %dma_start3A_19] : memref<20000x128xf32, #tpu.memory_space<hbm>> -> memref<20000x128xf32, #tpu.memory_space<hbm>>
      tpu.enqueue_indirect_dma source(%dma_start3A_20 : memref<20000x128xf32, #tpu.memory_space<hbm>>) target(%arg10 : memref<128x128xf32, #tpu.memory_space<vmem>>) offsets(%dma_start3A_17 : memref<128xi32, #tpu.memory_space<vmem>>) semaphore(%arg16 : memref<!tpu.dma_semaphore, #tpu.memory_space<semaphore_mem>>)
      %dma_wait3A = arith.constant 0 : i32
      %dma_wait3A_21 = tpu.memref_slice %arg8[%scan3A_15, %dma_wait3A] : memref<79x128xi32, #tpu.memory_space<vmem>> -> memref<1x128xi32, #tpu.memory_space<vmem>>
      %dma_wait3A_22 = tpu.memref_squeeze %dma_wait3A_21 : memref<1x128xi32, #tpu.memory_space<vmem>> -> memref<128xi32, #tpu.memory_space<vmem>>
      %dma_wait3A_23 = arith.constant 0 : i32
      %dma_wait3A_24 = arith.constant 0 : i32
      %dma_wait3A_25 = tpu.memref_slice %arg2[%dma_wait3A_23, %dma_wait3A_24] : memref<20000x128xf32, #tpu.memory_space<hbm>> -> memref<20000x128xf32, #tpu.memory_space<hbm>>
      tpu.wait_indirect_dma semaphore(%arg16 : memref<!tpu.dma_semaphore, #tpu.memory_space<semaphore_mem>>) src(%dma_wait3A_25 : memref<20000x128xf32, #tpu.memory_space<hbm>>) dst(%arg10 : memref<128x128xf32, #tpu.memory_space<vmem>>)
      "tpu.region"() ({
        %run_scoped3A = tpu.sem_alloc : memref<!tpu.dma_semaphore, #tpu.memory_space<semaphore_mem>>
        %dma_start3A_26 = arith.constant 0 : i32
        %dma_start3A_27 = tpu.memref_slice %arg9[%scan3A_15, %dma_start3A_26] : memref<79x128xi32, #tpu.memory_space<vmem>> -> memref<1x128xi32, #tpu.memory_space<vmem>>
        %dma_start3A_28 = tpu.memref_squeeze %dma_start3A_27 : memref<1x128xi32, #tpu.memory_space<vmem>> -> memref<128xi32, #tpu.memory_space<vmem>>
        %dma_start3A_29 = arith.constant 0 : i32
        %dma_start3A_30 = arith.constant 0 : i32
        %dma_start3A_31 = tpu.memref_slice %arg14[%dma_start3A_29, %dma_start3A_30] : memref<10112x128xf32, #tpu.memory_space<vmem_shared>> -> memref<10112x128xf32, #tpu.memory_space<vmem_shared>>
        tpu.enqueue_indirect_dma source(%arg10 : memref<128x128xf32, #tpu.memory_space<vmem>>) target(%dma_start3A_31 : memref<10112x128xf32, #tpu.memory_space<vmem_shared>>) offsets(%dma_start3A_28 : memref<128xi32, #tpu.memory_space<vmem>>) semaphore(%run_scoped3A : memref<!tpu.dma_semaphore, #tpu.memory_space<semaphore_mem>>) {add = true}
        %dma_wait3A_32 = arith.constant 0 : i32
        %dma_wait3A_33 = tpu.memref_slice %arg9[%scan3A_15, %dma_wait3A_32] : memref<79x128xi32, #tpu.memory_space<vmem>> -> memref<1x128xi32, #tpu.memory_space<vmem>>
        %dma_wait3A_34 = tpu.memref_squeeze %dma_wait3A_33 : memref<1x128xi32, #tpu.memory_space<vmem>> -> memref<128xi32, #tpu.memory_space<vmem>>
        %dma_wait3A_35 = arith.constant 0 : i32
        %dma_wait3A_36 = arith.constant 0 : i32
        %dma_wait3A_37 = tpu.memref_slice %arg14[%dma_wait3A_35, %dma_wait3A_36] : memref<10112x128xf32, #tpu.memory_space<vmem_shared>> -> memref<10112x128xf32, #tpu.memory_space<vmem_shared>>
        tpu.wait_indirect_dma semaphore(%run_scoped3A : memref<!tpu.dma_semaphore, #tpu.memory_space<semaphore_mem>>) src(%arg10 : memref<128x128xf32, #tpu.memory_space<vmem>>) dst(%dma_wait3A_37 : memref<10112x128xf32, #tpu.memory_space<vmem_shared>>)
        tpu.yield
      }) : () -> ()
    }
    %scan3A_5 = arith.constant 79 : i32
    %barrier3A_6 = arith.constant 0 : index
    tpu.barrier barrier_id(%barrier3A_6)
    %mul3A_7 = arith.constant 632 : i32
    %mul3A_8 = arith.muli %arg1, %mul3A_7 : i32
    %lt3A = arith.constant 15 : i32
    %lt3A_9 = arith.cmpi slt, %arg1, %lt3A : i32
    %convert_element_type3A = arith.extui %lt3A_9 : i1 to i32
    %cond3A = arith.constant 0 : i32
    %cond3A_10 = arith.cmpi ne, %convert_element_type3A, %cond3A : i32
    scf.if %cond3A_10 {
      %mul3A_15 = arith.constant 10000 : i32
      %mul3A_16 = arith.muli %arg0, %mul3A_15 : i32
      %add3A = arith.addi %mul3A_16, %mul3A_8 : i32
      "tpu.region"() ({
        %run_scoped3A = tpu.sem_alloc : memref<!tpu.dma_semaphore, #tpu.memory_space<semaphore_mem>>
        %dma_start3A = arith.constant 0 : i32
        %dma_start3A_17 = tpu.memref_slice %arg7[%add3A, %dma_start3A] : memref<20000x128xf32, #tpu.memory_space<hbm>> -> memref<632x128xf32, #tpu.memory_space<hbm>>
        %dma_start3A_18 = arith.constant 0 : i32
        %dma_start3A_19 = tpu.memref_slice %arg14[%mul3A_8, %dma_start3A_18] : memref<10112x128xf32, #tpu.memory_space<vmem_shared>> -> memref<632x128xf32, #tpu.memory_space<vmem_shared>>
        tpu.enqueue_dma source(%dma_start3A_19 : memref<632x128xf32, #tpu.memory_space<vmem_shared>>) target(%dma_start3A_17 : memref<632x128xf32, #tpu.memory_space<hbm>>) target_semaphore(%run_scoped3A : memref<!tpu.dma_semaphore, #tpu.memory_space<semaphore_mem>>)
        %dma_wait3A = arith.constant 0 : i32
        %dma_wait3A_20 = tpu.memref_slice %arg7[%add3A, %dma_wait3A] : memref<20000x128xf32, #tpu.memory_space<hbm>> -> memref<632x128xf32, #tpu.memory_space<hbm>>
        %dma_wait3A_21 = arith.constant 0 : i32
        %dma_wait3A_22 = tpu.memref_slice %arg14[%mul3A_8, %dma_wait3A_21] : memref<10112x128xf32, #tpu.memory_space<vmem_shared>> -> memref<632x128xf32, #tpu.memory_space<vmem_shared>>
        tpu.wait_dma2 semaphore(%run_scoped3A : memref<!tpu.dma_semaphore, #tpu.memory_space<semaphore_mem>>) src(%dma_wait3A_22 : memref<632x128xf32, #tpu.memory_space<vmem_shared>>) dst(%dma_wait3A_20 : memref<632x128xf32, #tpu.memory_space<hbm>>)
        tpu.yield
      }) : () -> ()
    } else {
    }
    %eq3A = arith.constant 15 : i32
    %eq3A_11 = arith.cmpi eq, %arg1, %eq3A : i32
    %convert_element_type3A_12 = arith.extui %eq3A_11 : i1 to i32
    %cond3A_13 = arith.constant 0 : i32
    %cond3A_14 = arith.cmpi ne, %convert_element_type3A_12, %cond3A_13 : i32
    scf.if %cond3A_14 {
      %mul3A_15 = arith.constant 10000 : i32
      %mul3A_16 = arith.muli %arg0, %mul3A_15 : i32
      %add3A = arith.constant 9480 : i32
      %add3A_17 = arith.addi %mul3A_16, %add3A : i32
      "tpu.region"() ({
        %run_scoped3A = tpu.sem_alloc : memref<!tpu.dma_semaphore, #tpu.memory_space<semaphore_mem>>
        %dma_start3A = arith.constant 0 : i32
        %dma_start3A_18 = tpu.memref_slice %arg7[%add3A_17, %dma_start3A] : memref<20000x128xf32, #tpu.memory_space<hbm>> -> memref<520x128xf32, #tpu.memory_space<hbm>>
        %dma_start3A_19 = arith.constant 9480 : i32
        %dma_start3A_20 = arith.constant 0 : i32
        %dma_start3A_21 = tpu.memref_slice %arg14[%dma_start3A_19, %dma_start3A_20] : memref<10112x128xf32, #tpu.memory_space<vmem_shared>> -> memref<520x128xf32, #tpu.memory_space<vmem_shared>>
        tpu.enqueue_dma source(%dma_start3A_21 : memref<520x128xf32, #tpu.memory_space<vmem_shared>>) target(%dma_start3A_18 : memref<520x128xf32, #tpu.memory_space<hbm>>) target_semaphore(%run_scoped3A : memref<!tpu.dma_semaphore, #tpu.memory_space<semaphore_mem>>)
        %dma_wait3A = arith.constant 0 : i32
        %dma_wait3A_22 = tpu.memref_slice %arg7[%add3A_17, %dma_wait3A] : memref<20000x128xf32, #tpu.memory_space<hbm>> -> memref<520x128xf32, #tpu.memory_space<hbm>>
        %dma_wait3A_23 = arith.constant 9480 : i32
        %dma_wait3A_24 = arith.constant 0 : i32
        %dma_wait3A_25 = tpu.memref_slice %arg14[%dma_wait3A_23, %dma_wait3A_24] : memref<10112x128xf32, #tpu.memory_space<vmem_shared>> -> memref<520x128xf32, #tpu.memory_space<vmem_shared>>
        tpu.wait_dma2 semaphore(%run_scoped3A : memref<!tpu.dma_semaphore, #tpu.memory_space<semaphore_mem>>) src(%dma_wait3A_25 : memref<520x128xf32, #tpu.memory_space<vmem_shared>>) dst(%dma_wait3A_22 : memref<520x128xf32, #tpu.memory_space<hbm>>)
        tpu.yield
      }) : () -> ()
    } else {
    }
    return
  }
}

module attributes {stable_mosaic.version = 14 : i64} {
  func.func @_stats_body(%arg0: i32, %arg1: memref<400x256xf32, #tpu.memory_space<vmem>>, %arg2: memref<1x256xf32, #tpu.memory_space<vmem>>, %arg3: memref<1x256xf32, #tpu.memory_space<vmem>>) attributes {dimension_semantics = [#tpu.dimension_semantics<arbitrary>], iteration_bounds = array<i64: 25>, scalar_prefetch = 0 : i64, scratch_operands = 0 : i64, tpu.core_type = #tpu.core_type<tc>, window_params = [{transform_indices = @transform_0, window_bounds = array<i64: 400, 256>}, {pipeline_mode = #tpu.pipeline_mode<synchronous>, transform_indices = @transform_1, window_bounds = array<i64: 1, 256>}, {pipeline_mode = #tpu.pipeline_mode<synchronous>, transform_indices = @transform_2, window_bounds = array<i64: 1, 256>}]} {
    %eq3A = arith.constant 0 : i32
    %eq3A_0 = arith.cmpi eq, %arg0, %eq3A : i32
    %convert_element_type3A = arith.extui %eq3A_0 : i1 to i32
    %cond3A = arith.constant 0 : i32
    %cond3A_1 = arith.cmpi ne, %convert_element_type3A, %cond3A : i32
    scf.if %cond3A_1 {
      %broadcast_in_dim3A_20 = arith.constant 0.000000e+00 : f32
      %broadcast_in_dim3A_21 = vector.broadcast %broadcast_in_dim3A_20 : f32 to vector<1x256xf32>
      %swap3A_22 = arith.constant 0 : index
      %swap3A_23 = arith.constant 0 : index
      %swap3A_24 = vector.load %arg2[%swap3A_22, %swap3A_23] : memref<1x256xf32, #tpu.memory_space<vmem>>, vector<1x256xf32>
      tpu.vector_store %arg2[%swap3A_22, %swap3A_23], %broadcast_in_dim3A_21 {strides = array<i32>} : memref<1x256xf32, #tpu.memory_space<vmem>>, vector<1x256xf32>,
      %broadcast_in_dim3A_25 = arith.constant 0.000000e+00 : f32
      %broadcast_in_dim3A_26 = vector.broadcast %broadcast_in_dim3A_25 : f32 to vector<1x256xf32>
      %swap3A_27 = arith.constant 0 : index
      %swap3A_28 = arith.constant 0 : index
      %swap3A_29 = vector.load %arg3[%swap3A_27, %swap3A_28] : memref<1x256xf32, #tpu.memory_space<vmem>>, vector<1x256xf32>
      tpu.vector_store %arg3[%swap3A_27, %swap3A_28], %broadcast_in_dim3A_26 {strides = array<i32>} : memref<1x256xf32, #tpu.memory_space<vmem>>, vector<1x256xf32>,
    } else {
    }
    %get3A = arith.constant 0 : index
    %get3A_2 = arith.constant 0 : index
    %get3A_3 = vector.load %arg1[%get3A, %get3A_2] : memref<400x256xf32, #tpu.memory_space<vmem>>, vector<400x256xf32>
    %get3A_4 = arith.constant 0 : index
    %get3A_5 = arith.constant 0 : index
    %get3A_6 = vector.load %arg2[%get3A_4, %get3A_5] : memref<1x256xf32, #tpu.memory_space<vmem>>, vector<1x256xf32>
    %reduce_sum3A = arith.constant dense<0.000000e+00> : vector<256xf32>
    %reduce_sum3A_7 = vector.multi_reduction <add>, %get3A_3, %reduce_sum3A [0] : vector<400x256xf32> to vector<256xf32>
    %broadcast_in_dim3A = vector.shape_cast %reduce_sum3A_7 : vector<256xf32> to vector<1x256xf32>
    %add3A = arith.addf %get3A_6, %broadcast_in_dim3A : vector<1x256xf32>
    %swap3A = arith.constant 0 : index
    %swap3A_8 = arith.constant 0 : index
    %swap3A_9 = vector.load %arg2[%swap3A, %swap3A_8] : memref<1x256xf32, #tpu.memory_space<vmem>>, vector<1x256xf32>
    tpu.vector_store %arg2[%swap3A, %swap3A_8], %add3A {strides = array<i32>} : memref<1x256xf32, #tpu.memory_space<vmem>>, vector<1x256xf32>,
    %get3A_10 = arith.constant 0 : index
    %get3A_11 = arith.constant 0 : index
    %get3A_12 = vector.load %arg3[%get3A_10, %get3A_11] : memref<1x256xf32, #tpu.memory_space<vmem>>, vector<1x256xf32>
    %mul3A = arith.mulf %get3A_3, %get3A_3 : vector<400x256xf32>
    %reduce_sum3A_13 = arith.constant dense<0.000000e+00> : vector<256xf32>
    %reduce_sum3A_14 = vector.multi_reduction <add>, %mul3A, %reduce_sum3A_13 [0] : vector<400x256xf32> to vector<256xf32>
    %broadcast_in_dim3A_15 = vector.shape_cast %reduce_sum3A_14 : vector<256xf32> to vector<1x256xf32>
    %add3A_16 = arith.addf %get3A_12, %broadcast_in_dim3A_15 : vector<1x256xf32>
    %swap3A_17 = arith.constant 0 : index
    %swap3A_18 = arith.constant 0 : index
    %swap3A_19 = vector.load %arg3[%swap3A_17, %swap3A_18] : memref<1x256xf32, #tpu.memory_space<vmem>>, vector<1x256xf32>
    tpu.vector_store %arg3[%swap3A_17, %swap3A_18], %add3A_16 {strides = array<i32>} : memref<1x256xf32, #tpu.memory_space<vmem>>, vector<1x256xf32>,
    return
  }
  func.func @transform_0(%arg0: i32) -> (i32, i32) {
    %c0_i32 = arith.constant 0 : i32
    %c0_i32_0 = arith.constant 0 : i32
    return %arg0, %c0_i32 : i32, i32
  }
  func.func @transform_1(%arg0: i32) -> (i32, i32) {
    %c0_i32 = arith.constant 0 : i32
    %c0_i32_0 = arith.constant 0 : i32
    %c0_i32_1 = arith.constant 0 : i32
    return %c0_i32, %c0_i32_0 : i32, i32
  }
  func.func @transform_2(%arg0: i32) -> (i32, i32) {
    %c0_i32 = arith.constant 0 : i32
    %c0_i32_0 = arith.constant 0 : i32
    %c0_i32_1 = arith.constant 0 : i32
    return %c0_i32, %c0_i32_0 : i32, i32
  }
}

module attributes {stable_mosaic.version = 14 : i64} {
  func.func @_mask_body(%arg0: i32, %arg1: i32, %arg2: memref<400x128xf32, #tpu.memory_space<vmem>>, %arg3: memref<400x1xf32, #tpu.memory_space<vmem>>, %arg4: memref<1x128xf32, #tpu.memory_space<vmem>>, %arg5: memref<1x256xf32, #tpu.memory_space<vmem>>, %arg6: memref<1x256xf32, #tpu.memory_space<vmem>>, %arg7: memref<400x128xf32, #tpu.memory_space<vmem>>) attributes {dimension_semantics = [#tpu.dimension_semantics<arbitrary>, #tpu.dimension_semantics<arbitrary>], iteration_bounds = array<i64: 2, 25>, scalar_prefetch = 0 : i64, scratch_operands = 0 : i64, tpu.core_type = #tpu.core_type<tc>, window_params = [{transform_indices = @transform_0, window_bounds = array<i64: 400, 128>}, {transform_indices = @transform_1, window_bounds = array<i64: 400, 1>}, {transform_indices = @transform_2, window_bounds = array<i64: 1, 128>}, {pipeline_mode = #tpu.pipeline_mode<synchronous>, transform_indices = @transform_3, window_bounds = array<i64: 1, 256>}, {pipeline_mode = #tpu.pipeline_mode<synchronous>, transform_indices = @transform_4, window_bounds = array<i64: 1, 256>}, {transform_indices = @transform_5, window_bounds = array<i64: 400, 128>}]} {
    %get3A = arith.constant 0 : index
    %get3A_0 = arith.constant 0 : index
    %get3A_1 = vector.load %arg5[%get3A, %get3A_0] : memref<1x256xf32, #tpu.memory_space<vmem>>, vector<1x256xf32>
    %reduce_sum3A = vector.shape_cast %get3A_1 : vector<1x256xf32> to vector<1x1x256xf32>
    %reduce_sum3A_2 = arith.constant dense<0.000000e+00> : vector<1xf32>
    %reduce_sum3A_3 = vector.multi_reduction <add>, %reduce_sum3A, %reduce_sum3A_2 [1, 2] : vector<1x1x256xf32> to vector<1xf32>
    %reduce_sum3A_4 = vector.shape_cast %reduce_sum3A_3 : vector<1xf32> to vector<1x1x1xf32>
    %reduce_sum3A_5 = vector.extract %reduce_sum3A_4[0, 0, 0] : f32 from vector<1x1x1xf32>
    %div3A = arith.constant 2.560000e+06 : f32
    %div3A_6 = arith.divf %reduce_sum3A_5, %div3A : f32
    %get3A_7 = arith.constant 0 : index
    %get3A_8 = arith.constant 0 : index
    %get3A_9 = vector.load %arg6[%get3A_7, %get3A_8] : memref<1x256xf32, #tpu.memory_space<vmem>>, vector<1x256xf32>
    %reduce_sum3A_10 = vector.shape_cast %get3A_9 : vector<1x256xf32> to vector<1x1x256xf32>
    %reduce_sum3A_11 = arith.constant dense<0.000000e+00> : vector<1xf32>
    %reduce_sum3A_12 = vector.multi_reduction <add>, %reduce_sum3A_10, %reduce_sum3A_11 [1, 2] : vector<1x1x256xf32> to vector<1xf32>
    %reduce_sum3A_13 = vector.shape_cast %reduce_sum3A_12 : vector<1xf32> to vector<1x1x1xf32>
    %reduce_sum3A_14 = vector.extract %reduce_sum3A_13[0, 0, 0] : f32 from vector<1x1x1xf32>
    %div3A_15 = arith.constant 2.560000e+06 : f32
    %div3A_16 = arith.divf %reduce_sum3A_14, %div3A_15 : f32
    %mul3A = arith.mulf %div3A_6, %div3A_6 : f32
    %sub3A = arith.subf %div3A_16, %mul3A : f32
    %max3A = arith.constant 0.000000e+00 : f32
    %max3A_17 = arith.maximumf %sub3A, %max3A : f32
    %sqrt3A = math.sqrt %max3A_17 : f32
    %get3A_18 = arith.constant 0 : index
    %get3A_19 = arith.constant 0 : index
    %get3A_20 = vector.load %arg4[%get3A_18, %get3A_19] : memref<1x128xf32, #tpu.memory_space<vmem>>, vector<1x128xf32>
    %mul3A_21 = vector.broadcast %sqrt3A : f32 to vector<1x128xf32>
    %mul3A_22 = arith.mulf %get3A_20, %mul3A_21 : vector<1x128xf32>
    %add3A = vector.broadcast %div3A_6 : f32 to vector<1x128xf32>
    %add3A_23 = arith.addf %mul3A_22, %add3A : vector<1x128xf32>
    %get3A_24 = arith.constant 0 : index
    %get3A_25 = arith.constant 0 : index
    %get3A_26 = vector.load %arg3[%get3A_24, %get3A_25] : memref<400x1xf32, #tpu.memory_space<vmem>>, vector<400x1xf32>
    %get3A_27 = arith.constant 0 : index
    %get3A_28 = arith.constant 0 : index
    %get3A_29 = vector.load %arg2[%get3A_27, %get3A_28] : memref<400x128xf32, #tpu.memory_space<vmem>>, vector<400x128xf32>
    %sub3A_30 = arith.constant 1.000000e+00 : f32
    %sub3A_31 = vector.broadcast %sub3A_30 : f32 to vector<400x1xf32>
    %sub3A_32 = arith.subf %sub3A_31, %get3A_26 : vector<400x1xf32>
    %mul3A_33 = vector.broadcast %sub3A_32 : vector<400x1xf32> to vector<400x128xf32>
    %mul3A_34 = arith.mulf %get3A_29, %mul3A_33 : vector<400x128xf32>
    %mul3A_35 = vector.broadcast %get3A_26 : vector<400x1xf32> to vector<400x128xf32>
    %mul3A_36 = vector.broadcast %add3A_23 : vector<1x128xf32> to vector<400x128xf32>
    %mul3A_37 = arith.mulf %mul3A_35, %mul3A_36 : vector<400x128xf32>
    %add3A_38 = arith.addf %mul3A_34, %mul3A_37 : vector<400x128xf32>
    %swap3A = arith.constant 0 : index
    %swap3A_39 = arith.constant 0 : index
    %swap3A_40 = vector.load %arg7[%swap3A, %swap3A_39] : memref<400x128xf32, #tpu.memory_space<vmem>>, vector<400x128xf32>
    tpu.vector_store %arg7[%swap3A, %swap3A_39], %add3A_38 {strides = array<i32>} : memref<400x128xf32, #tpu.memory_space<vmem>>, vector<400x128xf32>,
    return
  }
  func.func @transform_0(%arg0: i32, %arg1: i32) -> (i32, i32) {
    %c0_i32 = arith.constant 0 : i32
    return %arg1, %arg0 : i32, i32
  }
  func.func @transform_1(%arg0: i32, %arg1: i32) -> (i32, i32) {
    %c0_i32 = arith.constant 0 : i32
    %c0_i32_0 = arith.constant 0 : i32
    return %arg1, %c0_i32 : i32, i32
  }
  func.func @transform_2(%arg0: i32, %arg1: i32) -> (i32, i32) {
    %c0_i32 = arith.constant 0 : i32
    %c0_i32_0 = arith.constant 0 : i32
    return %c0_i32, %arg0 : i32, i32
  }
  func.func @transform_3(%arg0: i32, %arg1: i32) -> (i32, i32) {
    %c0_i32 = arith.constant 0 : i32
    %c0_i32_0 = arith.constant 0 : i32
    %c0_i32_1 = arith.constant 0 : i32
    return %c0_i32, %c0_i32_0 : i32, i32
  }
  func.func @transform_4(%arg0: i32, %arg1: i32) -> (i32, i32) {
    %c0_i32 = arith.constant 0 : i32
    %c0_i32_0 = arith.constant 0 : i32
    %c0_i32_1 = arith.constant 0 : i32
    return %c0_i32, %c0_i32_0 : i32, i32
  }
  func.func @transform_5(%arg0: i32, %arg1: i32) -> (i32, i32) {
    %mul3A = arith.constant 25 : i32
    %mul3A_0 = arith.muli %arg0, %mul3A : i32
    %add3A = arith.addi %mul3A_0, %arg1 : i32
    %c0_i32 = arith.constant 0 : i32
    %c0_i32_1 = arith.constant 0 : i32
    return %add3A, %c0_i32 : i32, i32
  }
}

module attributes {stable_mosaic.version = 14 : i64} {
  func.func @_conv_body(%arg0: i32, %arg1: i32, %arg2: memref<400x128xf32, #tpu.memory_space<vmem>>, %arg3: memref<400x128xf32, #tpu.memory_space<vmem>>, %arg4: memref<400x128xf32, #tpu.memory_space<vmem>>, %arg5: memref<400x128xf32, #tpu.memory_space<vmem>>, %arg6: memref<400x1xf32, #tpu.memory_space<vmem>>, %arg7: memref<256x128xf32, #tpu.memory_space<vmem>>, %arg8: memref<256x128xf32, #tpu.memory_space<vmem>>, %arg9: memref<1x128xf32, #tpu.memory_space<vmem>>, %arg10: memref<400x128xf32, #tpu.memory_space<vmem>>) attributes {dimension_semantics = [#tpu.dimension_semantics<arbitrary>, #tpu.dimension_semantics<arbitrary>], iteration_bounds = array<i64: 2, 25>, scalar_prefetch = 0 : i64, scratch_operands = 0 : i64, tpu.core_type = #tpu.core_type<tc>, window_params = [{transform_indices = @transform_0, window_bounds = array<i64: 400, 128>}, {transform_indices = @transform_1, window_bounds = array<i64: 400, 128>}, {transform_indices = @transform_2, window_bounds = array<i64: 400, 128>}, {transform_indices = @transform_3, window_bounds = array<i64: 400, 128>}, {transform_indices = @transform_4, window_bounds = array<i64: 400, 1>}, {transform_indices = @transform_5, window_bounds = array<i64: 256, 128>}, {transform_indices = @transform_6, window_bounds = array<i64: 256, 128>}, {transform_indices = @transform_7, window_bounds = array<i64: 1, 128>}, {transform_indices = @transform_8, window_bounds = array<i64: 400, 128>}]} {
    %get3A = arith.constant 0 : index
    %get3A_0 = arith.constant 0 : index
    %get3A_1 = vector.load %arg6[%get3A, %get3A_0] : memref<400x1xf32, #tpu.memory_space<vmem>>, vector<400x1xf32>
    %max3A = arith.constant 1.000000e+00 : f32
    %max3A_2 = vector.broadcast %max3A : f32 to vector<400x1xf32>
    %max3A_3 = arith.maximumf %get3A_1, %max3A_2 : vector<400x1xf32>
    %div3A = arith.constant 1.000000e+00 : f32
    %div3A_4 = vector.broadcast %div3A : f32 to vector<400x1xf32>
    %div3A_5 = arith.divf %div3A_4, %max3A_3 : vector<400x1xf32>
    %get3A_6 = arith.constant 0 : index
    %get3A_7 = arith.constant 0 : index
    %get3A_8 = vector.load %arg4[%get3A_6, %get3A_7] : memref<400x128xf32, #tpu.memory_space<vmem>>, vector<400x128xf32>
    %mul3A = vector.broadcast %div3A_5 : vector<400x1xf32> to vector<400x128xf32>
    %mul3A_9 = arith.mulf %get3A_8, %mul3A : vector<400x128xf32>
    %get3A_10 = arith.constant 0 : index
    %get3A_11 = arith.constant 0 : index
    %get3A_12 = vector.load %arg5[%get3A_10, %get3A_11] : memref<400x128xf32, #tpu.memory_space<vmem>>, vector<400x128xf32>
    %mul3A_13 = vector.broadcast %div3A_5 : vector<400x1xf32> to vector<400x128xf32>
    %mul3A_14 = arith.mulf %get3A_12, %mul3A_13 : vector<400x128xf32>
    %get3A_15 = arith.constant 0 : index
    %get3A_16 = arith.constant 0 : index
    %get3A_17 = vector.load %arg7[%get3A_15, %get3A_16] : memref<256x128xf32, #tpu.memory_space<vmem>>, vector<256x128xf32>
    %get3A_18 = arith.constant 0 : index
    %get3A_19 = arith.constant 0 : index
    %get3A_20 = vector.load %arg8[%get3A_18, %get3A_19] : memref<256x128xf32, #tpu.memory_space<vmem>>, vector<256x128xf32>
    %get3A_21 = arith.constant 0 : index
    %get3A_22 = arith.constant 0 : index
    %get3A_23 = vector.load %arg2[%get3A_21, %get3A_22] : memref<400x128xf32, #tpu.memory_space<vmem>>, vector<400x128xf32>
    %slice3A = vector.extract_strided_slice %get3A_17 {offsets = [0, 0], sizes = [128, 128], strides = [1, 1]} : vector<256x128xf32> to vector<128x128xf32>
    %dot_general3A = arith.constant dense<0.000000e+00> : vector<400x128xf32>
    %dot_general3A_24 = tpu.matmul %get3A_23, %slice3A, %dot_general3A {dimension_numbers = #tpu.dot_dimension_numbers<[1], [0], [0], [1], [0, 0, 1, 1], [], []>, transpose_lhs_hint = false} : vector<400x128xf32>, vector<128x128xf32>, vector<400x128xf32> -> vector<400x128xf32>
    %get3A_25 = arith.constant 0 : index
    %get3A_26 = arith.constant 0 : index
    %get3A_27 = vector.load %arg3[%get3A_25, %get3A_26] : memref<400x128xf32, #tpu.memory_space<vmem>>, vector<400x128xf32>
    %slice3A_28 = vector.extract_strided_slice %get3A_17 {offsets = [128, 0], sizes = [128, 128], strides = [1, 1]} : vector<256x128xf32> to vector<128x128xf32>
    %dot_general3A_29 = arith.constant dense<0.000000e+00> : vector<400x128xf32>
    %dot_general3A_30 = tpu.matmul %get3A_27, %slice3A_28, %dot_general3A_29 {dimension_numbers = #tpu.dot_dimension_numbers<[1], [0], [0], [1], [0, 0, 1, 1], [], []>, transpose_lhs_hint = false} : vector<400x128xf32>, vector<128x128xf32>, vector<400x128xf32> -> vector<400x128xf32>
    %add3A = arith.addf %dot_general3A_24, %dot_general3A_30 : vector<400x128xf32>
    %slice3A_31 = vector.extract_strided_slice %get3A_20 {offsets = [0, 0], sizes = [128, 128], strides = [1, 1]} : vector<256x128xf32> to vector<128x128xf32>
    %dot_general3A_32 = arith.constant dense<0.000000e+00> : vector<400x128xf32>
    %dot_general3A_33 = tpu.matmul %mul3A_9, %slice3A_31, %dot_general3A_32 {dimension_numbers = #tpu.dot_dimension_numbers<[1], [0], [0], [1], [0, 0, 1, 1], [], []>, transpose_lhs_hint = false} : vector<400x128xf32>, vector<128x128xf32>, vector<400x128xf32> -> vector<400x128xf32>
    %add3A_34 = arith.addf %add3A, %dot_general3A_33 : vector<400x128xf32>
    %slice3A_35 = vector.extract_strided_slice %get3A_20 {offsets = [128, 0], sizes = [128, 128], strides = [1, 1]} : vector<256x128xf32> to vector<128x128xf32>
    %dot_general3A_36 = arith.constant dense<0.000000e+00> : vector<400x128xf32>
    %dot_general3A_37 = tpu.matmul %mul3A_14, %slice3A_35, %dot_general3A_36 {dimension_numbers = #tpu.dot_dimension_numbers<[1], [0], [0], [1], [0, 0, 1, 1], [], []>, transpose_lhs_hint = false} : vector<400x128xf32>, vector<128x128xf32>, vector<400x128xf32> -> vector<400x128xf32>
    %add3A_38 = arith.addf %add3A_34, %dot_general3A_37 : vector<400x128xf32>
    %get3A_39 = arith.constant 0 : index
    %get3A_40 = arith.constant 0 : index
    %get3A_41 = vector.load %arg9[%get3A_39, %get3A_40] : memref<1x128xf32, #tpu.memory_space<vmem>>, vector<1x128xf32>
    %add3A_42 = vector.broadcast %get3A_41 : vector<1x128xf32> to vector<400x128xf32>
    %add3A_43 = arith.addf %add3A_38, %add3A_42 : vector<400x128xf32>
    %max3A_44 = arith.constant 0.000000e+00 : f32
    %max3A_45 = vector.broadcast %max3A_44 : f32 to vector<400x128xf32>
    %max3A_46 = arith.maximumf %add3A_43, %max3A_45 : vector<400x128xf32>
    %swap3A = arith.constant 0 : index
    %swap3A_47 = arith.constant 0 : index
    %swap3A_48 = vector.load %arg10[%swap3A, %swap3A_47] : memref<400x128xf32, #tpu.memory_space<vmem>>, vector<400x128xf32>
    tpu.vector_store %arg10[%swap3A, %swap3A_47], %max3A_46 {strides = array<i32>} : memref<400x128xf32, #tpu.memory_space<vmem>>, vector<400x128xf32>,
    return
  }
  func.func @transform_0(%arg0: i32, %arg1: i32) -> (i32, i32) {
    %c0_i32 = arith.constant 0 : i32
    %c0_i32_0 = arith.constant 0 : i32
    return %arg1, %c0_i32 : i32, i32
  }
  func.func @transform_1(%arg0: i32, %arg1: i32) -> (i32, i32) {
    %add3A = arith.constant 25 : i32
    %add3A_0 = arith.addi %arg1, %add3A : i32
    %c0_i32 = arith.constant 0 : i32
    %c0_i32_1 = arith.constant 0 : i32
    return %add3A_0, %c0_i32 : i32, i32
  }
  func.func @transform_2(%arg0: i32, %arg1: i32) -> (i32, i32) {
    %c0_i32 = arith.constant 0 : i32
    %c0_i32_0 = arith.constant 0 : i32
    return %arg1, %c0_i32 : i32, i32
  }
  func.func @transform_3(%arg0: i32, %arg1: i32) -> (i32, i32) {
    %add3A = arith.constant 25 : i32
    %add3A_0 = arith.addi %arg1, %add3A : i32
    %c0_i32 = arith.constant 0 : i32
    %c0_i32_1 = arith.constant 0 : i32
    return %add3A_0, %c0_i32 : i32, i32
  }
  func.func @transform_4(%arg0: i32, %arg1: i32) -> (i32, i32) {
    %c0_i32 = arith.constant 0 : i32
    %c0_i32_0 = arith.constant 0 : i32
    return %arg1, %c0_i32 : i32, i32
  }
  func.func @transform_5(%arg0: i32, %arg1: i32) -> (i32, i32) {
    %c0_i32 = arith.constant 0 : i32
    %c0_i32_0 = arith.constant 0 : i32
    return %c0_i32, %arg0 : i32, i32
  }
  func.func @transform_6(%arg0: i32, %arg1: i32) -> (i32, i32) {
    %c0_i32 = arith.constant 0 : i32
    %c0_i32_0 = arith.constant 0 : i32
    return %c0_i32, %arg0 : i32, i32
  }
  func.func @transform_7(%arg0: i32, %arg1: i32) -> (i32, i32) {
    %c0_i32 = arith.constant 0 : i32
    %c0_i32_0 = arith.constant 0 : i32
    return %c0_i32, %arg0 : i32, i32
  }
  func.func @transform_8(%arg0: i32, %arg1: i32) -> (i32, i32) {
    %mul3A = arith.constant 25 : i32
    %mul3A_0 = arith.muli %arg0, %mul3A : i32
    %add3A = arith.addi %mul3A_0, %arg1 : i32
    %c0_i32 = arith.constant 0 : i32
    %c0_i32_1 = arith.constant 0 : i32
    return %add3A, %c0_i32 : i32, i32
  }
}

module attributes {stable_mosaic.version = 14 : i64} {
  func.func @_jepa_body(%arg0: i32, %arg1: i32, %arg2: memref<400x128xf32, #tpu.memory_space<vmem>>, %arg3: memref<400x128xf32, #tpu.memory_space<vmem>>, %arg4: memref<400x1xf32, #tpu.memory_space<vmem>>, %arg5: memref<256x128xf32, #tpu.memory_space<vmem>>, %arg6: memref<1x128xf32, #tpu.memory_space<vmem>>, %arg7: memref<400x128xf32, #tpu.memory_space<vmem>>) attributes {dimension_semantics = [#tpu.dimension_semantics<arbitrary>, #tpu.dimension_semantics<arbitrary>], iteration_bounds = array<i64: 2, 25>, scalar_prefetch = 0 : i64, scratch_operands = 0 : i64, tpu.core_type = #tpu.core_type<tc>, window_params = [{transform_indices = @transform_0, window_bounds = array<i64: 400, 128>}, {transform_indices = @transform_1, window_bounds = array<i64: 400, 128>}, {transform_indices = @transform_2, window_bounds = array<i64: 400, 1>}, {transform_indices = @transform_3, window_bounds = array<i64: 256, 128>}, {transform_indices = @transform_4, window_bounds = array<i64: 1, 128>}, {transform_indices = @transform_5, window_bounds = array<i64: 400, 128>}]} {
    %get3A = arith.constant 0 : index
    %get3A_0 = arith.constant 0 : index
    %get3A_1 = vector.load %arg4[%get3A, %get3A_0] : memref<400x1xf32, #tpu.memory_space<vmem>>, vector<400x1xf32>
    %max3A = arith.constant 1.000000e+00 : f32
    %max3A_2 = vector.broadcast %max3A : f32 to vector<400x1xf32>
    %max3A_3 = arith.maximumf %get3A_1, %max3A_2 : vector<400x1xf32>
    %div3A = arith.constant 1.000000e+00 : f32
    %div3A_4 = vector.broadcast %div3A : f32 to vector<400x1xf32>
    %div3A_5 = arith.divf %div3A_4, %max3A_3 : vector<400x1xf32>
    %get3A_6 = arith.constant 0 : index
    %get3A_7 = arith.constant 0 : index
    %get3A_8 = vector.load %arg2[%get3A_6, %get3A_7] : memref<400x128xf32, #tpu.memory_space<vmem>>, vector<400x128xf32>
    %mul3A = vector.broadcast %div3A_5 : vector<400x1xf32> to vector<400x128xf32>
    %mul3A_9 = arith.mulf %get3A_8, %mul3A : vector<400x128xf32>
    %get3A_10 = arith.constant 0 : index
    %get3A_11 = arith.constant 0 : index
    %get3A_12 = vector.load %arg3[%get3A_10, %get3A_11] : memref<400x128xf32, #tpu.memory_space<vmem>>, vector<400x128xf32>
    %mul3A_13 = vector.broadcast %div3A_5 : vector<400x1xf32> to vector<400x128xf32>
    %mul3A_14 = arith.mulf %get3A_12, %mul3A_13 : vector<400x128xf32>
    %get3A_15 = arith.constant 0 : index
    %get3A_16 = arith.constant 0 : index
    %get3A_17 = vector.load %arg5[%get3A_15, %get3A_16] : memref<256x128xf32, #tpu.memory_space<vmem>>, vector<256x128xf32>
    %slice3A = vector.extract_strided_slice %get3A_17 {offsets = [0, 0], sizes = [128, 128], strides = [1, 1]} : vector<256x128xf32> to vector<128x128xf32>
    %dot_general3A = arith.constant dense<0.000000e+00> : vector<400x128xf32>
    %dot_general3A_18 = tpu.matmul %mul3A_9, %slice3A, %dot_general3A {dimension_numbers = #tpu.dot_dimension_numbers<[1], [0], [0], [1], [0, 0, 1, 1], [], []>, transpose_lhs_hint = false} : vector<400x128xf32>, vector<128x128xf32>, vector<400x128xf32> -> vector<400x128xf32>
    %slice3A_19 = vector.extract_strided_slice %get3A_17 {offsets = [128, 0], sizes = [128, 128], strides = [1, 1]} : vector<256x128xf32> to vector<128x128xf32>
    %dot_general3A_20 = arith.constant dense<0.000000e+00> : vector<400x128xf32>
    %dot_general3A_21 = tpu.matmul %mul3A_14, %slice3A_19, %dot_general3A_20 {dimension_numbers = #tpu.dot_dimension_numbers<[1], [0], [0], [1], [0, 0, 1, 1], [], []>, transpose_lhs_hint = false} : vector<400x128xf32>, vector<128x128xf32>, vector<400x128xf32> -> vector<400x128xf32>
    %add3A = arith.addf %dot_general3A_18, %dot_general3A_21 : vector<400x128xf32>
    %get3A_22 = arith.constant 0 : index
    %get3A_23 = arith.constant 0 : index
    %get3A_24 = vector.load %arg6[%get3A_22, %get3A_23] : memref<1x128xf32, #tpu.memory_space<vmem>>, vector<1x128xf32>
    %add3A_25 = vector.broadcast %get3A_24 : vector<1x128xf32> to vector<400x128xf32>
    %add3A_26 = arith.addf %add3A, %add3A_25 : vector<400x128xf32>
    %swap3A = arith.constant 0 : index
    %swap3A_27 = arith.constant 0 : index
    %swap3A_28 = vector.load %arg7[%swap3A, %swap3A_27] : memref<400x128xf32, #tpu.memory_space<vmem>>, vector<400x128xf32>
    tpu.vector_store %arg7[%swap3A, %swap3A_27], %add3A_26 {strides = array<i32>} : memref<400x128xf32, #tpu.memory_space<vmem>>, vector<400x128xf32>,
    return
  }
  func.func @transform_0(%arg0: i32, %arg1: i32) -> (i32, i32) {
    %c0_i32 = arith.constant 0 : i32
    %c0_i32_0 = arith.constant 0 : i32
    return %arg1, %c0_i32 : i32, i32
  }
  func.func @transform_1(%arg0: i32, %arg1: i32) -> (i32, i32) {
    %add3A = arith.constant 25 : i32
    %add3A_0 = arith.addi %arg1, %add3A : i32
    %c0_i32 = arith.constant 0 : i32
    %c0_i32_1 = arith.constant 0 : i32
    return %add3A_0, %c0_i32 : i32, i32
  }
  func.func @transform_2(%arg0: i32, %arg1: i32) -> (i32, i32) {
    %c0_i32 = arith.constant 0 : i32
    %c0_i32_0 = arith.constant 0 : i32
    return %arg1, %c0_i32 : i32, i32
  }
  func.func @transform_3(%arg0: i32, %arg1: i32) -> (i32, i32) {
    %c0_i32 = arith.constant 0 : i32
    %c0_i32_0 = arith.constant 0 : i32
    return %c0_i32, %arg0 : i32, i32
  }
  func.func @transform_4(%arg0: i32, %arg1: i32) -> (i32, i32) {
    %c0_i32 = arith.constant 0 : i32
    %c0_i32_0 = arith.constant 0 : i32
    return %c0_i32, %arg0 : i32, i32
  }
  func.func @transform_5(%arg0: i32, %arg1: i32) -> (i32, i32) {
    %c0_i32 = arith.constant 0 : i32
    return %arg1, %arg0 : i32, i32
  }
}

module attributes {stable_mosaic.version = 14 : i64} {
  func.func @_conv_jepa_body(%arg0: i32, %arg1: i32, %arg2: memref<400x128xf32, #tpu.memory_space<vmem>>, %arg3: memref<400x128xf32, #tpu.memory_space<vmem>>, %arg4: memref<400x128xf32, #tpu.memory_space<vmem>>, %arg5: memref<400x128xf32, #tpu.memory_space<vmem>>, %arg6: memref<400x1xf32, #tpu.memory_space<vmem>>, %arg7: memref<256x128xf32, #tpu.memory_space<vmem>>, %arg8: memref<256x128xf32, #tpu.memory_space<vmem>>, %arg9: memref<1x128xf32, #tpu.memory_space<vmem>>, %arg10: memref<256x128xf32, #tpu.memory_space<vmem>>, %arg11: memref<1x128xf32, #tpu.memory_space<vmem>>, %arg12: memref<400x128xf32, #tpu.memory_space<vmem>>, %arg13: memref<400x128xf32, #tpu.memory_space<vmem>>, %arg14: memref<400x128xf32, #tpu.memory_space<vmem>>) attributes {dimension_semantics = [#tpu.dimension_semantics<arbitrary>, #tpu.dimension_semantics<arbitrary>], iteration_bounds = array<i64: 2, 25>, scalar_prefetch = 0 : i64, scratch_operands = 0 : i64, tpu.core_type = #tpu.core_type<tc>, window_params = [{transform_indices = @transform_0, window_bounds = array<i64: 400, 128>}, {transform_indices = @transform_1, window_bounds = array<i64: 400, 128>}, {transform_indices = @transform_2, window_bounds = array<i64: 400, 128>}, {transform_indices = @transform_3, window_bounds = array<i64: 400, 128>}, {transform_indices = @transform_4, window_bounds = array<i64: 400, 1>}, {transform_indices = @transform_5, window_bounds = array<i64: 256, 128>}, {transform_indices = @transform_6, window_bounds = array<i64: 256, 128>}, {transform_indices = @transform_7, window_bounds = array<i64: 1, 128>}, {transform_indices = @transform_8, window_bounds = array<i64: 256, 128>}, {transform_indices = @transform_9, window_bounds = array<i64: 1, 128>}, {transform_indices = @transform_10, window_bounds = array<i64: 400, 128>}, {transform_indices = @transform_11, window_bounds = array<i64: 400, 128>}, {transform_indices = @transform_12, window_bounds = array<i64: 400, 128>}]} {
    %get3A = arith.constant 0 : index
    %get3A_0 = arith.constant 0 : index
    %get3A_1 = vector.load %arg6[%get3A, %get3A_0] : memref<400x1xf32, #tpu.memory_space<vmem>>, vector<400x1xf32>
    %max3A = arith.constant 1.000000e+00 : f32
    %max3A_2 = vector.broadcast %max3A : f32 to vector<400x1xf32>
    %max3A_3 = arith.maximumf %get3A_1, %max3A_2 : vector<400x1xf32>
    %div3A = arith.constant 1.000000e+00 : f32
    %div3A_4 = vector.broadcast %div3A : f32 to vector<400x1xf32>
    %div3A_5 = arith.divf %div3A_4, %max3A_3 : vector<400x1xf32>
    %get3A_6 = arith.constant 0 : index
    %get3A_7 = arith.constant 0 : index
    %get3A_8 = vector.load %arg4[%get3A_6, %get3A_7] : memref<400x128xf32, #tpu.memory_space<vmem>>, vector<400x128xf32>
    %mul3A = vector.broadcast %div3A_5 : vector<400x1xf32> to vector<400x128xf32>
    %mul3A_9 = arith.mulf %get3A_8, %mul3A : vector<400x128xf32>
    %get3A_10 = arith.constant 0 : index
    %get3A_11 = arith.constant 0 : index
    %get3A_12 = vector.load %arg5[%get3A_10, %get3A_11] : memref<400x128xf32, #tpu.memory_space<vmem>>, vector<400x128xf32>
    %mul3A_13 = vector.broadcast %div3A_5 : vector<400x1xf32> to vector<400x128xf32>
    %mul3A_14 = arith.mulf %get3A_12, %mul3A_13 : vector<400x128xf32>
    %get3A_15 = arith.constant 0 : index
    %get3A_16 = arith.constant 0 : index
    %get3A_17 = vector.load %arg7[%get3A_15, %get3A_16] : memref<256x128xf32, #tpu.memory_space<vmem>>, vector<256x128xf32>
    %get3A_18 = arith.constant 0 : index
    %get3A_19 = arith.constant 0 : index
    %get3A_20 = vector.load %arg8[%get3A_18, %get3A_19] : memref<256x128xf32, #tpu.memory_space<vmem>>, vector<256x128xf32>
    %get3A_21 = arith.constant 0 : index
    %get3A_22 = arith.constant 0 : index
    %get3A_23 = vector.load %arg10[%get3A_21, %get3A_22] : memref<256x128xf32, #tpu.memory_space<vmem>>, vector<256x128xf32>
    %get3A_24 = arith.constant 0 : index
    %get3A_25 = arith.constant 0 : index
    %get3A_26 = vector.load %arg2[%get3A_24, %get3A_25] : memref<400x128xf32, #tpu.memory_space<vmem>>, vector<400x128xf32>
    %slice3A = vector.extract_strided_slice %get3A_17 {offsets = [0, 0], sizes = [128, 128], strides = [1, 1]} : vector<256x128xf32> to vector<128x128xf32>
    %dot_general3A = arith.constant dense<0.000000e+00> : vector<400x128xf32>
    %dot_general3A_27 = tpu.matmul %get3A_26, %slice3A, %dot_general3A {dimension_numbers = #tpu.dot_dimension_numbers<[1], [0], [0], [1], [0, 0, 1, 1], [], []>, transpose_lhs_hint = false} : vector<400x128xf32>, vector<128x128xf32>, vector<400x128xf32> -> vector<400x128xf32>
    %get3A_28 = arith.constant 0 : index
    %get3A_29 = arith.constant 0 : index
    %get3A_30 = vector.load %arg3[%get3A_28, %get3A_29] : memref<400x128xf32, #tpu.memory_space<vmem>>, vector<400x128xf32>
    %slice3A_31 = vector.extract_strided_slice %get3A_17 {offsets = [128, 0], sizes = [128, 128], strides = [1, 1]} : vector<256x128xf32> to vector<128x128xf32>
    %dot_general3A_32 = arith.constant dense<0.000000e+00> : vector<400x128xf32>
    %dot_general3A_33 = tpu.matmul %get3A_30, %slice3A_31, %dot_general3A_32 {dimension_numbers = #tpu.dot_dimension_numbers<[1], [0], [0], [1], [0, 0, 1, 1], [], []>, transpose_lhs_hint = false} : vector<400x128xf32>, vector<128x128xf32>, vector<400x128xf32> -> vector<400x128xf32>
    %add3A = arith.addf %dot_general3A_27, %dot_general3A_33 : vector<400x128xf32>
    %slice3A_34 = vector.extract_strided_slice %get3A_20 {offsets = [0, 0], sizes = [128, 128], strides = [1, 1]} : vector<256x128xf32> to vector<128x128xf32>
    %dot_general3A_35 = arith.constant dense<0.000000e+00> : vector<400x128xf32>
    %dot_general3A_36 = tpu.matmul %mul3A_9, %slice3A_34, %dot_general3A_35 {dimension_numbers = #tpu.dot_dimension_numbers<[1], [0], [0], [1], [0, 0, 1, 1], [], []>, transpose_lhs_hint = false} : vector<400x128xf32>, vector<128x128xf32>, vector<400x128xf32> -> vector<400x128xf32>
    %add3A_37 = arith.addf %add3A, %dot_general3A_36 : vector<400x128xf32>
    %slice3A_38 = vector.extract_strided_slice %get3A_20 {offsets = [128, 0], sizes = [128, 128], strides = [1, 1]} : vector<256x128xf32> to vector<128x128xf32>
    %dot_general3A_39 = arith.constant dense<0.000000e+00> : vector<400x128xf32>
    %dot_general3A_40 = tpu.matmul %mul3A_14, %slice3A_38, %dot_general3A_39 {dimension_numbers = #tpu.dot_dimension_numbers<[1], [0], [0], [1], [0, 0, 1, 1], [], []>, transpose_lhs_hint = false} : vector<400x128xf32>, vector<128x128xf32>, vector<400x128xf32> -> vector<400x128xf32>
    %add3A_41 = arith.addf %add3A_37, %dot_general3A_40 : vector<400x128xf32>
    %get3A_42 = arith.constant 0 : index
    %get3A_43 = arith.constant 0 : index
    %get3A_44 = vector.load %arg9[%get3A_42, %get3A_43] : memref<1x128xf32, #tpu.memory_space<vmem>>, vector<1x128xf32>
    %add3A_45 = vector.broadcast %get3A_44 : vector<1x128xf32> to vector<400x128xf32>
    %add3A_46 = arith.addf %add3A_41, %add3A_45 : vector<400x128xf32>
    %max3A_47 = arith.constant 0.000000e+00 : f32
    %max3A_48 = vector.broadcast %max3A_47 : f32 to vector<400x128xf32>
    %max3A_49 = arith.maximumf %add3A_46, %max3A_48 : vector<400x128xf32>
    %swap3A = arith.constant 0 : index
    %swap3A_50 = arith.constant 0 : index
    %swap3A_51 = vector.load %arg12[%swap3A, %swap3A_50] : memref<400x128xf32, #tpu.memory_space<vmem>>, vector<400x128xf32>
    tpu.vector_store %arg12[%swap3A, %swap3A_50], %max3A_49 {strides = array<i32>} : memref<400x128xf32, #tpu.memory_space<vmem>>, vector<400x128xf32>,
    %swap3A_52 = arith.constant 0 : index
    %swap3A_53 = arith.constant 0 : index
    %swap3A_54 = vector.load %arg13[%swap3A_52, %swap3A_53] : memref<400x128xf32, #tpu.memory_space<vmem>>, vector<400x128xf32>
    tpu.vector_store %arg13[%swap3A_52, %swap3A_53], %max3A_49 {strides = array<i32>} : memref<400x128xf32, #tpu.memory_space<vmem>>, vector<400x128xf32>,
    %slice3A_55 = vector.extract_strided_slice %get3A_23 {offsets = [0, 0], sizes = [128, 128], strides = [1, 1]} : vector<256x128xf32> to vector<128x128xf32>
    %dot_general3A_56 = arith.constant dense<0.000000e+00> : vector<400x128xf32>
    %dot_general3A_57 = tpu.matmul %mul3A_9, %slice3A_55, %dot_general3A_56 {dimension_numbers = #tpu.dot_dimension_numbers<[1], [0], [0], [1], [0, 0, 1, 1], [], []>, transpose_lhs_hint = false} : vector<400x128xf32>, vector<128x128xf32>, vector<400x128xf32> -> vector<400x128xf32>
    %slice3A_58 = vector.extract_strided_slice %get3A_23 {offsets = [128, 0], sizes = [128, 128], strides = [1, 1]} : vector<256x128xf32> to vector<128x128xf32>
    %dot_general3A_59 = arith.constant dense<0.000000e+00> : vector<400x128xf32>
    %dot_general3A_60 = tpu.matmul %mul3A_14, %slice3A_58, %dot_general3A_59 {dimension_numbers = #tpu.dot_dimension_numbers<[1], [0], [0], [1], [0, 0, 1, 1], [], []>, transpose_lhs_hint = false} : vector<400x128xf32>, vector<128x128xf32>, vector<400x128xf32> -> vector<400x128xf32>
    %add3A_61 = arith.addf %dot_general3A_57, %dot_general3A_60 : vector<400x128xf32>
    %get3A_62 = arith.constant 0 : index
    %get3A_63 = arith.constant 0 : index
    %get3A_64 = vector.load %arg11[%get3A_62, %get3A_63] : memref<1x128xf32, #tpu.memory_space<vmem>>, vector<1x128xf32>
    %add3A_65 = vector.broadcast %get3A_64 : vector<1x128xf32> to vector<400x128xf32>
    %add3A_66 = arith.addf %add3A_61, %add3A_65 : vector<400x128xf32>
    %swap3A_67 = arith.constant 0 : index
    %swap3A_68 = arith.constant 0 : index
    %swap3A_69 = vector.load %arg14[%swap3A_67, %swap3A_68] : memref<400x128xf32, #tpu.memory_space<vmem>>, vector<400x128xf32>
    tpu.vector_store %arg14[%swap3A_67, %swap3A_68], %add3A_66 {strides = array<i32>} : memref<400x128xf32, #tpu.memory_space<vmem>>, vector<400x128xf32>,
    return
  }
  func.func @transform_0(%arg0: i32, %arg1: i32) -> (i32, i32) {
    %c0_i32 = arith.constant 0 : i32
    %c0_i32_0 = arith.constant 0 : i32
    return %arg1, %c0_i32 : i32, i32
  }
  func.func @transform_1(%arg0: i32, %arg1: i32) -> (i32, i32) {
    %add3A = arith.constant 25 : i32
    %add3A_0 = arith.addi %arg1, %add3A : i32
    %c0_i32 = arith.constant 0 : i32
    %c0_i32_1 = arith.constant 0 : i32
    return %add3A_0, %c0_i32 : i32, i32
  }
  func.func @transform_2(%arg0: i32, %arg1: i32) -> (i32, i32) {
    %c0_i32 = arith.constant 0 : i32
    %c0_i32_0 = arith.constant 0 : i32
    return %arg1, %c0_i32 : i32, i32
  }
  func.func @transform_3(%arg0: i32, %arg1: i32) -> (i32, i32) {
    %add3A = arith.constant 25 : i32
    %add3A_0 = arith.addi %arg1, %add3A : i32
    %c0_i32 = arith.constant 0 : i32
    %c0_i32_1 = arith.constant 0 : i32
    return %add3A_0, %c0_i32 : i32, i32
  }
  func.func @transform_4(%arg0: i32, %arg1: i32) -> (i32, i32) {
    %c0_i32 = arith.constant 0 : i32
    %c0_i32_0 = arith.constant 0 : i32
    return %arg1, %c0_i32 : i32, i32
  }
  func.func @transform_5(%arg0: i32, %arg1: i32) -> (i32, i32) {
    %c0_i32 = arith.constant 0 : i32
    %c0_i32_0 = arith.constant 0 : i32
    return %c0_i32, %arg0 : i32, i32
  }
  func.func @transform_6(%arg0: i32, %arg1: i32) -> (i32, i32) {
    %c0_i32 = arith.constant 0 : i32
    %c0_i32_0 = arith.constant 0 : i32
    return %c0_i32, %arg0 : i32, i32
  }
  func.func @transform_7(%arg0: i32, %arg1: i32) -> (i32, i32) {
    %c0_i32 = arith.constant 0 : i32
    %c0_i32_0 = arith.constant 0 : i32
    return %c0_i32, %arg0 : i32, i32
  }
  func.func @transform_8(%arg0: i32, %arg1: i32) -> (i32, i32) {
    %c0_i32 = arith.constant 0 : i32
    %c0_i32_0 = arith.constant 0 : i32
    return %c0_i32, %arg0 : i32, i32
  }
  func.func @transform_9(%arg0: i32, %arg1: i32) -> (i32, i32) {
    %c0_i32 = arith.constant 0 : i32
    %c0_i32_0 = arith.constant 0 : i32
    return %c0_i32, %arg0 : i32, i32
  }
  func.func @transform_10(%arg0: i32, %arg1: i32) -> (i32, i32) {
    %mul3A = arith.constant 25 : i32
    %mul3A_0 = arith.muli %arg0, %mul3A : i32
    %add3A = arith.addi %mul3A_0, %arg1 : i32
    %c0_i32 = arith.constant 0 : i32
    %c0_i32_1 = arith.constant 0 : i32
    return %add3A, %c0_i32 : i32, i32
  }
  func.func @transform_11(%arg0: i32, %arg1: i32) -> (i32, i32) {
    %c0_i32 = arith.constant 0 : i32
    return %arg1, %arg0 : i32, i32
  }
  func.func @transform_12(%arg0: i32, %arg1: i32) -> (i32, i32) {
    %c0_i32 = arith.constant 0 : i32
    return %arg1, %arg0 : i32, i32
  }
}

</mosaic_0001>

<sc_bundles>
// kernel: kernel.10.cloned.1.call-start
scs
__scs_entry_jumppad:
0x0: {  	(pc) =	sbr.rel $0x88, $3  }
0x1: {  	(tag) =	ssettag $0x0;
	lr =	simm.s32 $0x1  }
0x2: {  	[smem:$0x3F95] =	sst lr;
	_ =	strace $0xD0000000  }
0x3: {  	_ = 	snop  }
0x4: {  	_ = 	snop  }
0x5: {  	_ = 	snop  }
0x6: {  	_ = 	snop  }
0x7: {  	_ = 	snop  }
__scs_overlays_trampoline_lowered:
0x8: {  	[smem:$0x3FA4] =	sst s0  }
0x9: {  	[smem:$0x3FA5] =	sst s1  }
0xa: {  	[smem:$0x3FA6] =	sst s2  }
0xb: {  	[smem:$0x3FA7] =	sst s3  }
0xc: {  	[smem:$0x3FA8] =	sst s4  }
0xd: {  	[smem:$0x3FA9] =	sst s5  }
0xe: {  	[smem:$0x3FAA] =	sst s6  }
0xf: {  	[smem:$0x3FAB] =	sst s7  }
0x10: {  	[smem:$0x3FAC] =	sst s8  }
0x11: {  	[smem:$0x3FAD] =	sst s9;
	s0 =	simm.s32 @!p0 $0x0  }
0x12: {  	s1 =	sld [smem:$0x3F93];
	s0 =	simm.s32 @p0 $0x1  }
0x13: {  	[smem:$0x3FAE] =	sst s0;
	s0 =	simm.s32 @!p1 $0x0  }
0x14: {  	s2 =	sld [smem:$0x3F92];
	s0 =	simm.s32 @p1 $0x1  }
0x15: {  	[smem:$0x3FAF] =	sst s0;
	s0 =	simm.s32 @!p2 $0x0  }
0x16: {  	s3 =	sld [smem:$0x3FDB];
	s0 =	simm.s32 @p2 $0x1  }
0x17: {  	s4 =	simm.s32 $0x1BF5;
	[smem:$0x3FB1] =	sst s0  }
0x18: {  	s0 =	sld [smem:$0x3F94];
	_ =	swait.ge [sflag:s4], $0x0  }
0x19: {  	s7 =	sld [smem:$0x3F95]  }
0x1a: {  	s8 =	sadd.s32 $0xFFFFE003, lr  }
0x1b: {  	s9 =	sadd.s32 $0xFFFFFEF7, lr;
	s5 =	simm.s32 $0xFFFFFFFF;
	p2 =	slt.u32 s8, $0xFFFFF086  }
0x1c: {  	p1 =	slt.u32 s9, $0xF7A;
	s5 =	simm.s32 @!p2 $0x0  }
0x1d: {  	s5 =	simm.s32 @p1 $0x1;
	p0 =	seq.s32 s7, s2  }
0x1e: {  	s7 =	smul.u32 @!p0 $0xF7A, s2;
	p2 =	seq.s32 @!p0 s5, $0x0  }
0x1f: {  	s9 =	smul.u32 $0xF7A, s1;
	s8 =	simm.s32 @!p0 $0x1BF5;
	p2 =	por !p2, p0  }
0x20: {  	[sflag:s8] =	ssyncset.s32 @!p0 $0xFFFFF086;
	s6 =	sadd.s32 @!p0 s3, s7;
	s7 =	simm.s32 @!p0 $0x108  }
0x21: {  	s3 =	sadd.s32 s3, s9;
	s6 =	sadd.s32 @!p0 $0x88, s6;
	s7 =	simm.s32 @p2 $0x1082  }
0x22: {  	[simem:s7], [sflag:s8] =	dma.local @!p0 [hbm:s6], $0xF7A  }
0x23: {  	s9 =	sor.u32 $0xD0000000, s2;
	s6 =	simm.s32 $0x108;
	_ =	swait.ge @!p0 [sflag:s8], $0x0  }
0x24: {  	s3 =	sadd.s32 $0x88, s3;
	s6 =	simm.s32 @!p1 $0x1082;
	[sflag:s4] =	ssyncset.s32 $0xFFFFF086  }
0x25: {  	[simem:s6], [sflag:s4] =	dma.local [hbm:s3], $0xF7A  }
0x26: {  	[smem:$0x3F95] =	sst s1;
	(tag) =	ssettag s2;
	_ =	strace s9  }
0x27: {  	s1 =	sld [smem:$0x3FA5]  }
0x28: {  	s2 =	sld [smem:$0x3FA6]  }
0x29: {  	s4 =	sld [smem:$0x3FA8]  }
0x2a: {  	p0 =	seq.s32 s5, $0x0;
	s5 =	sld [smem:$0x3FA9]  }
0x2b: {  	s6 =	sld [smem:$0x3FAA]  }
0x2c: {  	s7 =	sld [smem:$0x3FAB]  }
0x2d: {  	s3 =	simm.s32 $0x108;
	s8 =	sld [smem:$0x3FAC]  }
0x2e: {  	s3 =	simm.s32 @!p0 $0x1082;
	s9 =	sld [smem:$0x3FAD]  }
0x2f: {  	lr =	sadd.s32 s0, s3;
	s0 =	sld [smem:$0x3FA4]  }
0x30: {  	s3 =	sld [smem:$0x3FA7]  }
0x31: {  	[smem:$0x3FB0] =	sst s10  }
0x32: {  	s10 =	sld [smem:$0x3FAE];
	_ =	sdelay $0x3  }
0x33: {  	p0 =	seq.s32 s10, $0x1;
	s10 =	sld [smem:$0x3FB0];
	_ =	sdelay $0x3  }
0x34: {  	[smem:$0x3FB0] =	sst s10  }
0x35: {  	s10 =	sld [smem:$0x3FAF];
	_ =	sdelay $0x3  }
0x36: {  	p1 =	seq.s32 s10, $0x1;
	s10 =	sld [smem:$0x3FB0];
	_ =	sdelay $0x3  }
0x37: {  	[smem:$0x3FB0] =	sst s10  }
0x38: {  	s10 =	sld [smem:$0x3FB1]  }
0x39: {  	_ = 	snop;
	(pc) =	sbr.ind lr, $3  }
0x3a: {  	_ = 	snop  }
0x3b: {  	_ = 	snop  }
0x3c: {  	p2 =	seq.s32 s10, $0x1;
	s10 =	sld [smem:$0x3FB0]  }
0x3d: {  	_ =	shalt  }
0x3e: {  	_ =	shalt  }
0x3f: {  	_ =	shalt  }
0x40: {  	_ =	shalt  }
0x41: {  	_ =	shalt  }
0x42: {  	_ =	shalt  }
0x43: {  	_ =	shalt  }
0x44: {  	_ =	shalt  }
0x45: {  	_ =	shalt  }
0x46: {  	_ =	shalt  }
0x47: {  	_ =	shalt  }
0x48: {  	_ =	shalt  }
0x49: {  	_ =	shalt  }
0x4a: {  	_ =	shalt  }
0x4b: {  	_ =	shalt  }
0x4c: {  	_ =	shalt  }
0x4d: {  	_ =	shalt  }
0x4e: {  	_ =	shalt  }
0x4f: {  	_ =	shalt  }
0x50: {  	_ =	shalt  }
0x51: {  	_ =	shalt  }
0x52: {  	_ =	shalt  }
0x53: {  	_ =	shalt  }
0x54: {  	_ =	shalt  }
0x55: {  	_ =	shalt  }
0x56: {  	_ =	shalt  }
0x57: {  	_ =	shalt  }
0x58: {  	_ =	shalt  }
0x59: {  	_ =	shalt  }
0x5a: {  	_ =	shalt  }
0x5b: {  	_ =	shalt  }
0x5c: {  	_ =	shalt  }
0x5d: {  	_ =	shalt  }
0x5e: {  	_ =	shalt  }
0x5f: {  	_ =	shalt  }
0x60: {  	_ =	shalt  }
0x61: {  	_ =	shalt  }
0x62: {  	_ =	shalt  }
0x63: {  	_ =	shalt  }
0x64: {  	_ =	shalt  }
0x65: {  	_ =	shalt  }
0x66: {  	_ =	shalt  }
0x67: {  	_ =	shalt  }
0x68: {  	_ =	shalt  }
0x69: {  	_ =	shalt  }
0x6a: {  	_ =	shalt  }
0x6b: {  	_ =	shalt  }
0x6c: {  	_ =	shalt  }
0x6d: {  	_ =	shalt  }
0x6e: {  	_ =	shalt  }
0x6f: {  	_ =	shalt  }
0x70: {  	_ =	shalt  }
0x71: {  	_ =	shalt  }
0x72: {  	_ =	shalt  }
0x73: {  	_ =	shalt  }
0x74: {  	_ =	shalt  }
0x75: {  	_ =	shalt  }
0x76: {  	_ =	shalt  }
0x77: {  	_ =	shalt  }
0x78: {  	_ =	shalt  }
0x79: {  	_ =	shalt  }
0x7a: {  	_ =	shalt  }
0x7b: {  	_ =	shalt  }
0x7c: {  	_ =	shalt  }
0x7d: {  	_ =	shalt  }
0x7e: {  	_ =	shalt  }
0x7f: {  	_ =	shalt  }
0x80: {  	_ =	shalt  }
0x81: {  	_ =	shalt  }
0x82: {  	_ =	shalt  }
0x83: {  	_ =	shalt  }
0x84: {  	_ =	shalt  }
0x85: {  	_ =	shalt  }
0x86: {  	_ =	shalt  }
0x87: {  	_ =	shalt  }
.Lfunc_end0:
.L_simem_size_0:
called_computation_lowered:
.L_overlay_start_0:
0x88: {  	s2 =	sld [smem:$0x3FD9]  }
0x89: {  	s3 =	sld [smem:$0x3FFE];
	_ =	sdelay $0x1  }
0x8a: {  	s1 =	srdreg.scid  }
0x8b: {  	s0 =	sand.u32 $0x1, s1  }
0x8c: {  	s14 =	sshll.u32 s0, $0xA;
	s2 =	sadd.s32 s3, s2  }
0x8d: {  	s2 =	sadd.s32 s2, s14  }
0x8e: {  	[smem:$0x3FBC] =	sst s2  }
0x8f: {  	_ = 	snop  }
0x90: {  	s2 =	sld [smem:$0x3FD0];
	_ =	sdelay $0x2  }
0x91: {  	s15 =	simm.s32 $0xA;
	s4 =	simm.s32 $0x10  }
0x92: {  	[smem:s4], [sflag:s15] =	dma.local [hbm:s2], $0x1  }
0x93: {  	_ =	swait.eq [sflag:s15], $0x1  }
0x94: {  	s16 =	sld [smem:$0x10];
	[sflag:s15] =	ssyncset.done $0x0  }
0x95: {  	s17 =	sld [smem:$0x11];
	[sflag:s15] =	ssyncadd.s32 $0xFFFFFFFF  }
0x96: {  	s18 =	sld [smem:$0x13];
	(tm) =	ssettm $0x1  }
0x97: {  	s5 =	sld [smem:$0x3FFB];
	_ =	sdelay $0x3  }
0x98: {  	_ =	strace s5  }
0x99: {  	s5 =	sld [smem:$0x3FFC];
	_ =	sdelay $0x3  }
0x9a: {  	_ =	strace s5  }
0x9b: {  	s5 =	sld [smem:$0x3FFD];
	_ =	sdelay $0x3  }
0x9c: {  	_ =	strace s5  }
0x9d: {  	_ =	strace $0x8FFFFFFF  }
0x9e: {  	s19 =	sld [smem:$0x3FDB];
	_ =	sdelay $0x1  }
0x9f: {  	s6 =	simm.s32 $_scs_section_size  }
0xa0: {  	s7 =	simm.s32 $_size__tile_overlayer_lowered;
	s8 =	simm.s32 $_tile_overlayer_lowered  }
0xa1: {  	s22 =	simm.s32 $0x1BFF;
	s21 =	sshll.u32 s8, $0x1;
	s5 =	sadd.s32 s6, s19  }
0xa2: {  	s9 =	simm.s32 $0x0;
	s20 =	sshll.u32 s7, $0x1;
	s7 =	sadd.s32 s21, s5  }
0xa3: {  	[timem:s9], [sflag:s22] =	dma.local [hbm:s7], s20  }
0xa4: {  	_ =	swait.ge [sflag:s22], s20  }
0xa5: {  	s6 =	ssub.s32 $0x0, s20;
	[sflag:s22] =	ssyncset.done $0x0  }
0xa6: {  	[sflag:s22] =	ssyncadd.s32 s6;
	_ =	sdelay $0x1  }
0xa7: {  	s23 =	simm.s32 $0x1B8B  }
0xa8: {  	_ =	swait.ge [sflag:s23], $0x1  }
0xa9: {  	[sflag:s23] =	ssyncset.done $0x0  }
0xaa: {  	s25 =	simm.s32 $0x1B8E;
	s24 =	sld [smem:$0x3FFE];
	[sflag:s23] =	ssyncadd.s32 $0xFFFFFFFF  }
0xab: {  	s26 =	simm.s32 $execute0_lowered;
	[smem:$0x3FD2] =	sst s25  }
0xac: {  	s7 =	sshll.u32 s26, $0x1;
	_ =	strace $0x80000046;
	[dreg:$0x1] =	wrdreg $0xFFFFFFFF  }
0xad: {  	s28 =	simm.s32 $_size_execute0_lowered;
	s5 =	sadd.s32 s5, s7;
	[dreg:$0x0] =	wrdreg $0x0  }
0xae: {  	s7 =	sshll.u32 s28, $0x1;
	[dreg:$0x2] =	wrdreg s5  }
0xaf: {  	[dreg:$0x3] =	wrdreg s7  }
0xb0: {  	[dreg:$0x4] =	wrdreg $0xC0  }
0xb1: {  	_ =	task [dreg:s9], $0x5FFFF  }
0xb2: {  	[dreg:$0x1] =	wrdreg $0xFFFFFFFF  }
0xb3: {  	[dreg:$0x0] =	wrdreg $0x60  }
0xb4: {  	[dreg:$0x2] =	wrdreg s17  }
0xb5: {  	[dreg:$0x3] =	wrdreg s24  }
0xb6: {  	[dreg:$0x4] =	wrdreg s16  }
0xb7: {  	[dreg:$0x5] =	wrdreg s18  }
0xb8: {  	[dreg:$0x6] =	wrdreg $0x93800  }
0xb9: {  	[dreg:$0x7] =	wrdreg $0x1CF800  }
0xba: {  	[dreg:$0x8] =	wrdreg $0x9  }
0xbb: {  	_ =	task.clear_ibuf [dreg:s9], $0x9FFFF;
	_ =	strace $0x90000046  }
0xbc: {  	s29 =	simm.s32 $0x9;
	_ =	strace $0x80000048  }
0xbd: {  	_ =	swait.ge [sflag:s29], $0x1  }
0xbe: {  	[sflag:s29] =	ssyncadd.s32 $0xFFFFFFFF  }
0xbf: {  	_ =	strace $0x90000048  }
0xc0: {  	_ =	sfence  }
0xc1: {  	s30 =	sld [smem:$0x0];
	_ =	sdelay $0x2  }
0xc2: {  	s31 =	sshll.u32 s1, $0xD;
	s1 =	sshrl.u32 s1, $0x2  }
0xc3: {  	s3 =	sand.u32 $0x4000, s31;
	s1 =	sadd.s32 s1, s30  }
0xc4: {  	s0 =	sor.u32 s3, s0;
	s1 =	sshll.u32 s1, $0x11  }
0xc5: {  	s0 =	sor.u32 s1, s0  }
0xc6: {  	s0 =	sadd.s32 $0x8F2B, s0  }
0xc7: {  	[sflag:s0] =	ssyncadd.remote.s32 $0x1  }
0xc8: {  	_ =	sfence.sel $0xFFFF  }
0xc9: {  	[dreg:$0x0] =	wrdreg $0xFFFFFFFF;
	(pc) =	sbr.abs _section_cstart, $3  }
0xca: {  	[dreg:$0x1] =	wrdreg $0xFFFFFFFF  }
0xcb: {  	_ =	task.clear_ibuf [dreg:s9], $0x2FFFF;
	_ =	strace $0x9FFFFFFF  }
0xcc: {  	(tm) =	ssettm $0x7FFFFFFF  }
0xcd: {  	_ =	shalt  }
tec
execute0_lowered:
.L_overlay_start_1:
0x0: {  	(tag) =	ssettag $0x1  }
0x1: {  	s1 =	rddreg [dreg:$0x0]  }
0x2: {  	s0 =	rddreg [dreg:$0x1]  }
0x3: {  	s2 =	rddreg [dreg:$0x2]  }
0x4: {  	s3 =	srdreg.scid;
	s5 =	rddreg [dreg:$0x3]  }
0x5: {  	s24 =	stileid.u32;
	s4 =	rddreg [dreg:$0x5]  }
0x6: {  	s9 =	simm.s32 $0x0;
	s28 =	simm.s32 $0x80;
	s29 =	simm.s32 $0x5000  }
0x7: {  	s30 =	simm.s32 $0x1;
	s31 =	simm.s32 $0x3;
	s7 =	smul.u32 $0x2800, s24  }
0x8: {  	s6 =	sand.u32 $0x1, s3;
	s3 =	rddreg [dreg:$0x4];
	s18 =	smul.u32 $0x2780, s24  }
0x9: {  	[smem:$0x7FF] =	sst s9;
	s11 =	smul.u32 $0x4F000, s24;
	s12 =	sadd.s32 $0x10400, s0  }
0xa: {  	s21 =	sshll.u32 s24, $0x6;
	p1 =	seq.s32 s24, $0xF;
	s8 =	smul.u32 $0x28000, s6  }
0xb: {  	_ =	strace $0x80000047;
	s10 =	ssub.s32 $0x2, s6;
	[dreg:$0x7] =	wrdreg s12  }
0xc: {  	s22 =	smul.u32 $0x2710, s6;
	p0 =	sne.s32 s6, $0x0;
	p2 =	sne.s32 @p1 s6, $0x0  }
0xd: {  	p3 =	sne.s32 @!p1 s6, $0x0;
	s19 =	sshrl.u32 s10, $0x1;
	s9 =	sadd.s32 s18, s0  }
0xe: {  	s20 =	sshrl.u32 s11, $0x2;
	p2 =	por p2, !p1;
	p3 =	por p3, p1  }
0xf: {  	s8 =	sadd.s32 s7, s8;
	s7 =	sshrl.u32 s7, $0x3;
	s23 =	ssub.s32 s10, s19  }
0x10: {  	s19 =	smul.u32 $0x278, s24;
	s9 =	sadd.s32 $0x10A00, s9;
	s24 =	simm.s32 $0x2  }
0x11: {  	s8 =	sshrl.u32 s8, $0x3;
	s17 =	sadd.s32 s7, s0;
	s7 =	sadd.s32 s20, s3  }
0x12: {  	[dreg:$0x8] =	wrdreg s9;
	s9 =	sor.u32 $0x1C02, s21;
	s20 =	smul.u32 $0x138800, s6  }
0x13: {  	s21 =	sadd.s32 $0x2508, s4;
	s23 =	smax.u32 s23, $0x1;
	s8 =	sadd.s32 s8, s0  }
0x14: {  	s0 =	sadd.s32 $0x10410, s0;
	s11 =	sadd.s32 s19, s4;
	s17 =	sadd.s32 $0x1400, s17  }
0x15: {  	s25 =	sshrl.u32 s19, $0x3;
	[dreg:$0x9] =	wrdreg s0;
	s12 =	sadd.s32 $0x80, s11  }
0x16: {  	s13 =	sadd.s32 $0x100, s11;
	s14 =	sadd.s32 $0x180, s11;
	s15 =	sadd.s32 $0x200, s11  }
0x17: {  	s0 =	sadd.s32 s19, s22;
	s16 =	sadd.s32 $0x6400, s8;
	s26 =	sshrl.u32 s20, $0x3  }
0x18: {  	s19 =	sadd.s32 s5, s25;
	s22 =	sadd.s32 $0x4A1, s5;
	s0 =	sshll.u32 s0, $0x4  }
0x19: {  	s18 =	sadd.s32 s2, s0;
	s0 =	sadd.s32 $0x128400, s3;
	s2 =	sadd.s32 s2, s26  }
0x1a: {  	s20 =	sadd.s32 $0x25080, s2;
	s25 =	sshrl.u32 @p1 s0, $0x3;
	s2 =	simm.s32 $0x0  }
.LBB2_1:
0x1b: {  	s0 =	sshrl.u32 s7, $0x3;
	s5 =	rddreg [dreg:$0x8]  }
0x1c: {  	[spmem:s0], [sflag:s9] =	dma.local [hbm:s5], $0x2780  }
0x1d: {  	_ =	swait.ge [sflag:s24], $0x2780  }
0x1e: {  	s26 =	simm.s32 @!p0 $0x9000;
	[sflag:s24] =	ssyncset.done $0x0  }
0x1f: {  	s5 =	simm.s32 @!p0 $0x0;
	s0 =	rddreg [dreg:$0x7];
	[sflag:s24] =	ssyncadd.s32 $0xFFFFD880  }
0x20: {  	[tilespmem:s26], [sflag:$0x2] =	stream.linear.gather @!p0 [hbm4b:s0+s5], $0x80, $0x38;
	[tilespmem:$0x1D1F8] =	vst v63  }
0x21: {  	s0 =	simm.s32 @!p0 $0x2  }
0x22: {  	_ =	swait.ge @!p0 [sflag:s0], $0x80  }
0x23: {  	[sflag:s0] =	ssyncset.done @!p0 $0x0  }
0x24: {  	s6 =	simm.s32 @!p0 $0x9080;
	s8 =	rddreg [dreg:$0x9];
	[sflag:s0] =	ssyncadd.s32 @!p0 $0xFFFFFF80  }
0x25: {  	[tilespmem:s6], [sflag:$0x2] =	stream.linear.gather @!p0 [hbm4b:s8+s5], $0x80, $0x38;
	[tilespmem:$0x1D1F8] =	vst v63  }
0x26: {  	_ =	swait.ge @!p0 [sflag:s0], $0x80  }
0x27: {  	[sflag:s0] =	ssyncset.done @!p0 $0x0  }
0x28: {  	[sflag:s0] =	ssyncadd.s32 @!p0 $0xFFFFFF80  }
0x29: {  	[spmem:s11] =	stream.linear.scatter @!p0 [tilespmem:s6], [sflag:$0x2], $0x80, $0x38;
	[tilespmem:$0x1D1F8] =	vst v63  }
0x2a: {  	_ =	swait.ge @!p0 [sflag:s0], $0x80  }
0x2b: {  	[sflag:s0] =	ssyncset.done @!p0 $0x0  }
0x2c: {  	[sflag:s0] =	ssyncadd.s32 @!p0 $0xFFFFFF80  }
0x2d: {  	[spmem:s12] =	stream.linear.scatter @!p0 [tilespmem:s6], [sflag:$0x2], $0x80, $0x38;
	[tilespmem:$0x1D1F8] =	vst v63  }
0x2e: {  	_ =	swait.ge @!p0 [sflag:s0], $0x80  }
0x2f: {  	[sflag:s0] =	ssyncset.done @!p0 $0x0  }
0x30: {  	[sflag:s0] =	ssyncadd.s32 @!p0 $0xFFFFFF80  }
0x31: {  	[spmem:s13] =	stream.linear.scatter @!p0 [tilespmem:s6], [sflag:$0x2], $0x80, $0x38;
	[tilespmem:$0x1D1F8] =	vst v63  }
0x32: {  	_ =	swait.ge @!p0 [sflag:s0], $0x80  }
0x33: {  	[sflag:s0] =	ssyncset.done @!p0 $0x0  }
0x34: {  	[sflag:s0] =	ssyncadd.s32 @!p0 $0xFFFFFF80  }
0x35: {  	[spmem:s14] =	stream.linear.scatter @!p0 [tilespmem:s6], [sflag:$0x2], $0x80, $0x38;
	[tilespmem:$0x1D1F8] =	vst v63  }
0x36: {  	_ =	swait.ge @!p0 [sflag:s0], $0x80  }
0x37: {  	[sflag:s0] =	ssyncset.done @!p0 $0x0  }
0x38: {  	[sflag:s0] =	ssyncadd.s32 @!p0 $0xFFFFFF80  }
0x39: {  	[spmem:s15] =	stream.linear.scatter @!p0 [tilespmem:s6], [sflag:$0x2], $0x78, $0x38;
	[tilespmem:$0x1D1F8] =	vst v63  }
0x3a: {  	_ =	swait.ge @!p0 [sflag:s0], $0x78  }
0x3b: {  	[sflag:s0] =	ssyncset.done @!p0 $0x0  }
0x3c: {  	[sflag:s0] =	ssyncadd.s32 @!p0 $0xFFFFFF88  }
0x3d: {  	s6 =	simm.s32 $0x0;
	[bflag:$0x0] =	sbarrier.arrive $0xFFFF  }
0x3e: {  	[tilespmem:s6], [sflag:$0x2] =	stream.linear.gather [hbm4b:s16+s6], $0x2780, $0x38;
	[tilespmem:$0x1D1F8] =	vst v63  }
0x3f: {  	_ =	swait.ge [sflag:s24], $0x2780  }
0x40: {  	[sflag:s24] =	ssyncset.done $0x0  }
0x41: {  	s8 =	simm.s32 $0x2800;
	[sflag:s24] =	ssyncadd.s32 $0xFFFFD880  }
0x42: {  	[tilespmem:s8], [sflag:$0x2] =	stream.linear.gather [hbm4b:s17+s6], $0x2780, $0x38;
	[tilespmem:$0x1D1F8] =	vst v63  }
0x43: {  	_ =	swait.ge [sflag:s24], $0x2780  }
0x44: {  	[sflag:s24] =	ssyncset.done $0x0  }
0x45: {  	s10 =	simm.s32 $0x0;
	[sflag:s24] =	ssyncadd.s32 $0xFFFFD880  }
0x46: {  	[tilespmem:s29], [sflag:$0x1] =	stream.indirect.gather [hbm4b:s1+s28], $0x80, s10, s28, $0xb8;
	[tilespmem:$0x1D1F8] =	vst v63  }
0x47: {  	_ =	swait.ge [sflag:s30], $0x4000  }
0x48: {  	[sflag:s30] =	ssyncset.done $0x0  }
0x49: {  	s6 =	simm.s32 $0x2800;
	[sflag:s30] =	ssyncadd.s32 $0xFFFFC000  }
0x4a: {  	[spmem:s3] =	stream.indirect.scatter.add.f32 [tilespmem:s29], [sflag:$0x3], $0x80, s6, s28, $0xb8;
	[tilespmem:$0x1D1F8] =	vst v63  }
0x4b: {  	_ =	swait.ge [sflag:s31], $0x4000  }
0x4c: {  	[sflag:s31] =	ssyncset.done $0x0  }
0x4d: {  	s5 =	simm.s32 @!p0 $0x80;
	[sflag:s31] =	ssyncadd.s32 $0xFFFFC000  }
0x4e: {  	[spmem:s4] =	stream.indirect.scatter.add.f32 @!p0 [tilespmem:s26], [sflag:$0x2], $0x1, s6, s5, $0xb8;
	[tilespmem:$0x1D1F8] =	vst v63  }
0x4f: {  	_ =	swait.ge @!p0 [sflag:s0], $0x80  }
0x50: {  	s8 =	simm.s32 $0x400;
	s6 =	simm.s32 $0x200;
	[sflag:s0] =	ssyncset.done @!p0 $0x0  }
.LBB2_2:
0x51: {  	s10 =	sshra.s32 s6, $0x2  }
0x52: {  	[sflag:s0] =	ssyncadd.s32 @!p0 $0xFFFFFF80;
	s6 =	smov.u32 s8;
	s8 =	sadd.s32 $0x200, s8  }
0x53: {  	[tilespmem:s29], [sflag:$0x1] =	stream.indirect.gather [hbm4b:s1+s28], $0x80, s10, s28, $0xb8;
	[tilespmem:$0x1D1F8] =	vst v63  }
0x54: {  	p4 =	sne.s32 s8, $0x9E00;
	_ =	swait.ge [sflag:s30], $0x4000  }
0x55: {  	[sflag:s30] =	ssyncset.done $0x0  }
0x56: {  	s10 =	sadd.s32 $0x2800, s10;
	[sflag:s30] =	ssyncadd.s32 $0xFFFFC000  }
0x57: {  	[spmem:s3] =	stream.indirect.scatter.add.f32 [tilespmem:s29], [sflag:$0x3], $0x80, s10, s28, $0xb8;
	[tilespmem:$0x1D1F8] =	vst v63  }
0x58: {  	_ =	swait.ge [sflag:s31], $0x4000  }
.Ltmp0:
0x59: {  	[sflag:s31] =	ssyncset.done $0x0;
	(pc) =	sbr.rel @p4 .LBB2_2-.Ltmp0, $4  }
0x5a: {  	[sflag:s31] =	ssyncadd.s32 $0xFFFFC000  }
0x5b: {  	[spmem:s4] =	stream.indirect.scatter.add.f32 @!p0 [tilespmem:s26], [sflag:$0x2], $0x1, s10, s5, $0xb8;
	[tilespmem:$0x1D1F8] =	vst v63  }
0x5c: {  	_ =	swait.ge @!p0 [sflag:s0], $0x80  }
0x5d: {  	[sflag:s0] =	ssyncset.done @!p0 $0x0  }
0x5e: {  	s5 =	sshra.s32 s6, $0x2;
	[sflag:s0] =	ssyncadd.s32 @!p0 $0xFFFFFF80  }
0x5f: {  	[tilespmem:s29], [sflag:$0x1] =	stream.indirect.gather [hbm4b:s1+s28], $0x80, s5, s28, $0xb8;
	[tilespmem:$0x1D1F8] =	vst v63  }
0x60: {  	_ =	swait.ge [sflag:s30], $0x4000  }
0x61: {  	[sflag:s30] =	ssyncset.done $0x0  }
0x62: {  	s5 =	sadd.s32 $0x2800, s5;
	[sflag:s30] =	ssyncadd.s32 $0xFFFFC000  }
0x63: {  	[spmem:s3] =	stream.indirect.scatter.add.f32 [tilespmem:s29], [sflag:$0x3], $0x80, s5, s28, $0xb8;
	[tilespmem:$0x1D1F8] =	vst v63  }
0x64: {  	_ =	swait.ge [sflag:s31], $0x4000  }
0x65: {  	[sflag:s31] =	ssyncset.done $0x0  }
0x66: {  	s6 =	simm.s32 @!p0 $0x80;
	[sflag:s31] =	ssyncadd.s32 $0xFFFFC000  }
0x67: {  	[spmem:s4] =	stream.indirect.scatter.add.f32 @!p0 [tilespmem:s26], [sflag:$0x2], $0x1, s5, s6, $0xb8;
	[tilespmem:$0x1D1F8] =	vst v63  }
0x68: {  	_ =	swait.ge @!p0 [sflag:s0], $0x80  }
0x69: {  	[sflag:s0] =	ssyncset.done @!p0 $0x0  }
0x6a: {  	[sflag:s0] =	ssyncadd.s32 @!p0 $0xFFFFFF80  }
0x6b: {  	s0 =	simm.s32 @p1 $0x2;
	[bflag:$0x0] =	sbarrier.arrive $0xFFFF  }
0x6c: {  	[hbm:s20], [sflag:s9] =	dma.local @p1 [spmem:s25], $0x2080  }
0x6d: {  	_ =	swait.ge @p1 [sflag:s0], $0x2080  }
0x6e: {  	[sflag:s0] =	ssyncset.done @p1 $0x0  }
0x6f: {  	s5 =	simm.s32 @!p2 $0x2;
	[sflag:s0] =	ssyncadd.s32 @p1 $0xFFFFDF80;
	s0 =	simm.s32 @!p2 $0x9100  }
0x70: {  	[tilespmem:s0], [sflag:$0x2] =	stream.linear.gather @!p2 [spmem:s21], $0x208, $0x38;
	[tilespmem:$0x1D1F8] =	vst v63  }
0x71: {  	_ =	swait.ge @!p2 [sflag:s5], $0x208  }
0x72: {  	[sflag:s5] =	ssyncset.done @!p2 $0x0  }
0x73: {  	s6 =	simm.s32 @!p2 $0x0;
	[sflag:s5] =	ssyncadd.s32 @!p2 $0xFFFFFDF8  }
0x74: {  	[hbm4b:s22+s6] =	stream.linear.scatter @!p2 [tilespmem:s0], [sflag:$0x2], $0x208, $0x38;
	[tilespmem:$0x1D1F8] =	vst v63  }
0x75: {  	_ =	swait.ge @!p2 [sflag:s5], $0x208  }
0x76: {  	[sflag:s5] =	ssyncset.done @!p2 $0x0  }
0x77: {  	s0 =	sshrl.u32 @!p1 s7, $0x3;
	[sflag:s5] =	ssyncadd.s32 @!p2 $0xFFFFFDF8  }
0x78: {  	[hbm:s18], [sflag:s9] =	dma.local @!p1 [spmem:s0], $0x2780  }
0x79: {  	s0 =	simm.s32 @!p1 $0x2  }
0x7a: {  	_ =	swait.ge @!p1 [sflag:s0], $0x2780  }
0x7b: {  	[sflag:s0] =	ssyncset.done @!p1 $0x0  }
0x7c: {  	s5 =	simm.s32 @!p3 $0x2;
	[sflag:s0] =	ssyncadd.s32 @!p1 $0xFFFFD880;
	s0 =	simm.s32 @!p3 $0x9100  }
0x7d: {  	[tilespmem:s0], [sflag:$0x2] =	stream.linear.gather @!p3 [spmem:s11], $0x278, $0x38;
	[tilespmem:$0x1D1F8] =	vst v63  }
0x7e: {  	s2 =	sadd.s32 $0x1, s2;
	_ =	swait.ge @!p3 [sflag:s5], $0x278  }
0x7f: {  	p4 =	sne.s32 s2, s23;
	[sflag:s5] =	ssyncset.done @!p3 $0x0  }
.Ltmp1:
0x80: {  	s6 =	simm.s32 @!p3 $0x0;
	[sflag:s5] =	ssyncadd.s32 @!p3 $0xFFFFFD88;
	(pc) =	sbr.rel @p4 .LBB2_1-.Ltmp1, $4  }
0x81: {  	[hbm4b:s19+s6] =	stream.linear.scatter @!p3 [tilespmem:s0], [sflag:$0x2], $0x278, $0x38;
	[tilespmem:$0x1D1F8] =	vst v63  }
0x82: {  	_ =	swait.ge @!p3 [sflag:s5], $0x278  }
0x83: {  	[sflag:s5] =	ssyncset.done @!p3 $0x0  }
0x84: {  	[sflag:s5] =	ssyncadd.s32 @!p3 $0xFFFFFD88  }
0x85: {  	_ =	sfence.sel $0x180000  }
0x86: {  	[bflag:$0x0] =	sbarrier.arrive $0xFFFF  }
0x87: {  	_ =	strace $0x90000047  }
0x88: {  	s0 =	stileid.u32;
	[bflag:$0x2] =	sbarrier.arrive $0xFFFF  }
0x89: {  	p0 =	sne.s32 s0, $0x0;
	s0 =	rddreg [dreg:$0x6]  }
0x8a: {  	s0 =	sadd.s32 @!p0 $0x100000, s0  }
0x8b: {  	[sflag:s0] =	ssyncadd.tile.s32 @!p0 $0x1;
	_ =	shalt  }
.Lfunc_end2:
_tile_overlayer_lowered:
.L_overlay_start_2:
0x8c: {  	(tag) =	ssettag $0x2  }
0x8d: {  	s0 =	rddreg [dreg:$0x0];
	s2 =	stileid.u32  }
0x8e: {  	s1 =	rddreg [dreg:$0x1];
	p0 =	sne.s32 s2, $0x0  }
0x8f: {  	s3 =	rddreg [dreg:$0x2];
	[bflag:$0x3] =	sbarrier.arrive $0xFFFF;
	s2 =	simm.s32 @!p0 $0x1C02  }
0x90: {  	[timem:s3], [sflag:s2] =	dma.local @!p0 [hbm:s0], s1  }
0x91: {  	s0 =	simm.s32 @!p0 $0x2  }
0x92: {  	_ =	swait.ge @!p0 [sflag:s0], s1  }
0x93: {  	s1 =	ssub.s32 @!p0 $0x0, s1;
	[sflag:s0] =	ssyncset.done @!p0 $0x0  }
0x94: {  	[sflag:s0] =	ssyncadd.s32 @!p0 s1  }
0x95: {  	[bflag:$0x3] =	sbarrier.arrive $0xFFFF  }
0x96: {  	_ =	shalt  }

// kernel: kernel.13.cloned.1.call-start
scs
__scs_entry_jumppad:
0x0: {  	(pc) =	sbr.rel $0x88, $3  }
0x1: {  	(tag) =	ssettag $0x0;
	lr =	simm.s32 $0x1  }
0x2: {  	[smem:$0x3F95] =	sst lr;
	_ =	strace $0xD0000000  }
0x3: {  	_ = 	snop  }
0x4: {  	_ = 	snop  }
0x5: {  	_ = 	snop  }
0x6: {  	_ = 	snop  }
0x7: {  	_ = 	snop  }
__scs_overlays_trampoline_lowered:
0x8: {  	[smem:$0x3FA4] =	sst s0  }
0x9: {  	[smem:$0x3FA5] =	sst s1  }
0xa: {  	[smem:$0x3FA6] =	sst s2  }
0xb: {  	[smem:$0x3FA7] =	sst s3  }
0xc: {  	[smem:$0x3FA8] =	sst s4  }
0xd: {  	[smem:$0x3FA9] =	sst s5  }
0xe: {  	[smem:$0x3FAA] =	sst s6  }
0xf: {  	[smem:$0x3FAB] =	sst s7  }
0x10: {  	[smem:$0x3FAC] =	sst s8  }
0x11: {  	[smem:$0x3FAD] =	sst s9;
	s0 =	simm.s32 @!p0 $0x0  }
0x12: {  	s1 =	sld [smem:$0x3F93];
	s0 =	simm.s32 @p0 $0x1  }
0x13: {  	[smem:$0x3FAE] =	sst s0;
	s0 =	simm.s32 @!p1 $0x0  }
0x14: {  	s2 =	sld [smem:$0x3F92];
	s0 =	simm.s32 @p1 $0x1  }
0x15: {  	[smem:$0x3FAF] =	sst s0;
	s0 =	simm.s32 @!p2 $0x0  }
0x16: {  	s3 =	sld [smem:$0x3FDB];
	s0 =	simm.s32 @p2 $0x1  }
0x17: {  	s4 =	simm.s32 $0x1BF5;
	[smem:$0x3FB1] =	sst s0  }
0x18: {  	s0 =	sld [smem:$0x3F94];
	_ =	swait.ge [sflag:s4], $0x0  }
0x19: {  	s7 =	sld [smem:$0x3F95]  }
0x1a: {  	s8 =	sadd.s32 $0xFFFFE003, lr  }
0x1b: {  	s9 =	sadd.s32 $0xFFFFFEF7, lr;
	s5 =	simm.s32 $0xFFFFFFFF;
	p2 =	slt.u32 s8, $0xFFFFF086  }
0x1c: {  	p1 =	slt.u32 s9, $0xF7A;
	s5 =	simm.s32 @!p2 $0x0  }
0x1d: {  	s5 =	simm.s32 @p1 $0x1;
	p0 =	seq.s32 s7, s2  }
0x1e: {  	s7 =	smul.u32 @!p0 $0xF7A, s2;
	p2 =	seq.s32 @!p0 s5, $0x0  }
0x1f: {  	s9 =	smul.u32 $0xF7A, s1;
	s8 =	simm.s32 @!p0 $0x1BF5;
	p2 =	por !p2, p0  }
0x20: {  	[sflag:s8] =	ssyncset.s32 @!p0 $0xFFFFF086;
	s6 =	sadd.s32 @!p0 s3, s7;
	s7 =	simm.s32 @!p0 $0x108  }
0x21: {  	s3 =	sadd.s32 s3, s9;
	s6 =	sadd.s32 @!p0 $0x88, s6;
	s7 =	simm.s32 @p2 $0x1082  }
0x22: {  	[simem:s7], [sflag:s8] =	dma.local @!p0 [hbm:s6], $0xF7A  }
0x23: {  	s9 =	sor.u32 $0xD0000000, s2;
	s6 =	simm.s32 $0x108;
	_ =	swait.ge @!p0 [sflag:s8], $0x0  }
0x24: {  	s3 =	sadd.s32 $0x88, s3;
	s6 =	simm.s32 @!p1 $0x1082;
	[sflag:s4] =	ssyncset.s32 $0xFFFFF086  }
0x25: {  	[simem:s6], [sflag:s4] =	dma.local [hbm:s3], $0xF7A  }
0x26: {  	[smem:$0x3F95] =	sst s1;
	(tag) =	ssettag s2;
	_ =	strace s9  }
0x27: {  	s1 =	sld [smem:$0x3FA5]  }
0x28: {  	s2 =	sld [smem:$0x3FA6]  }
0x29: {  	s4 =	sld [smem:$0x3FA8]  }
0x2a: {  	p0 =	seq.s32 s5, $0x0;
	s5 =	sld [smem:$0x3FA9]  }
0x2b: {  	s6 =	sld [smem:$0x3FAA]  }
0x2c: {  	s7 =	sld [smem:$0x3FAB]  }
0x2d: {  	s3 =	simm.s32 $0x108;
	s8 =	sld [smem:$0x3FAC]  }
0x2e: {  	s3 =	simm.s32 @!p0 $0x1082;
	s9 =	sld [smem:$0x3FAD]  }
0x2f: {  	lr =	sadd.s32 s0, s3;
	s0 =	sld [smem:$0x3FA4]  }
0x30: {  	s3 =	sld [smem:$0x3FA7]  }
0x31: {  	[smem:$0x3FB0] =	sst s10  }
0x32: {  	s10 =	sld [smem:$0x3FAE];
	_ =	sdelay $0x3  }
0x33: {  	p0 =	seq.s32 s10, $0x1;
	s10 =	sld [smem:$0x3FB0];
	_ =	sdelay $0x3  }
0x34: {  	[smem:$0x3FB0] =	sst s10  }
0x35: {  	s10 =	sld [smem:$0x3FAF];
	_ =	sdelay $0x3  }
0x36: {  	p1 =	seq.s32 s10, $0x1;
	s10 =	sld [smem:$0x3FB0];
	_ =	sdelay $0x3  }
0x37: {  	[smem:$0x3FB0] =	sst s10  }
0x38: {  	s10 =	sld [smem:$0x3FB1]  }
0x39: {  	_ = 	snop;
	(pc) =	sbr.ind lr, $3  }
0x3a: {  	_ = 	snop  }
0x3b: {  	_ = 	snop  }
0x3c: {  	p2 =	seq.s32 s10, $0x1;
	s10 =	sld [smem:$0x3FB0]  }
0x3d: {  	_ =	shalt  }
0x3e: {  	_ =	shalt  }
0x3f: {  	_ =	shalt  }
0x40: {  	_ =	shalt  }
0x41: {  	_ =	shalt  }
0x42: {  	_ =	shalt  }
0x43: {  	_ =	shalt  }
0x44: {  	_ =	shalt  }
0x45: {  	_ =	shalt  }
0x46: {  	_ =	shalt  }
0x47: {  	_ =	shalt  }
0x48: {  	_ =	shalt  }
0x49: {  	_ =	shalt  }
0x4a: {  	_ =	shalt  }
0x4b: {  	_ =	shalt  }
0x4c: {  	_ =	shalt  }
0x4d: {  	_ =	shalt  }
0x4e: {  	_ =	shalt  }
0x4f: {  	_ =	shalt  }
0x50: {  	_ =	shalt  }
0x51: {  	_ =	shalt  }
0x52: {  	_ =	shalt  }
0x53: {  	_ =	shalt  }
0x54: {  	_ =	shalt  }
0x55: {  	_ =	shalt  }
0x56: {  	_ =	shalt  }
0x57: {  	_ =	shalt  }
0x58: {  	_ =	shalt  }
0x59: {  	_ =	shalt  }
0x5a: {  	_ =	shalt  }
0x5b: {  	_ =	shalt  }
0x5c: {  	_ =	shalt  }
0x5d: {  	_ =	shalt  }
0x5e: {  	_ =	shalt  }
0x5f: {  	_ =	shalt  }
0x60: {  	_ =	shalt  }
0x61: {  	_ =	shalt  }
0x62: {  	_ =	shalt  }
0x63: {  	_ =	shalt  }
0x64: {  	_ =	shalt  }
0x65: {  	_ =	shalt  }
0x66: {  	_ =	shalt  }
0x67: {  	_ =	shalt  }
0x68: {  	_ =	shalt  }
0x69: {  	_ =	shalt  }
0x6a: {  	_ =	shalt  }
0x6b: {  	_ =	shalt  }
0x6c: {  	_ =	shalt  }
0x6d: {  	_ =	shalt  }
0x6e: {  	_ =	shalt  }
0x6f: {  	_ =	shalt  }
0x70: {  	_ =	shalt  }
0x71: {  	_ =	shalt  }
0x72: {  	_ =	shalt  }
0x73: {  	_ =	shalt  }
0x74: {  	_ =	shalt  }
0x75: {  	_ =	shalt  }
0x76: {  	_ =	shalt  }
0x77: {  	_ =	shalt  }
0x78: {  	_ =	shalt  }
0x79: {  	_ =	shalt  }
0x7a: {  	_ =	shalt  }
0x7b: {  	_ =	shalt  }
0x7c: {  	_ =	shalt  }
0x7d: {  	_ =	shalt  }
0x7e: {  	_ =	shalt  }
0x7f: {  	_ =	shalt  }
0x80: {  	_ =	shalt  }
0x81: {  	_ =	shalt  }
0x82: {  	_ =	shalt  }
0x83: {  	_ =	shalt  }
0x84: {  	_ =	shalt  }
0x85: {  	_ =	shalt  }
0x86: {  	_ =	shalt  }
0x87: {  	_ =	shalt  }
.Lfunc_end0:
.L_simem_size_0:
called_computation.1_lowered:
.L_overlay_start_0:
0x88: {  	s2 =	sld [smem:$0x3FD9]  }
0x89: {  	s3 =	sld [smem:$0x3FFE];
	_ =	sdelay $0x1  }
0x8a: {  	s1 =	srdreg.scid  }
0x8b: {  	s0 =	sand.u32 $0x1, s1  }
0x8c: {  	s14 =	sshll.u32 s0, $0xA;
	s2 =	sadd.s32 s3, s2  }
0x8d: {  	s2 =	sadd.s32 s2, s14  }
0x8e: {  	[smem:$0x3FBC] =	sst s2  }
0x8f: {  	_ = 	snop  }
0x90: {  	s2 =	sld [smem:$0x3FD0];
	_ =	sdelay $0x2  }
0x91: {  	s15 =	simm.s32 $0xA;
	s4 =	simm.s32 $0x10  }
0x92: {  	[smem:s4], [sflag:s15] =	dma.local [hbm:s2], $0x1  }
0x93: {  	_ =	swait.eq [sflag:s15], $0x1  }
0x94: {  	[sflag:s15] =	ssyncset.done $0x0  }
0x95: {  	[sflag:s15] =	ssyncadd.s32 $0xFFFFFFFF  }
0x96: {  	s16 =	sld [smem:$0x11];
	(tm) =	ssettm $0x1  }
0x97: {  	s17 =	sld [smem:$0x3FFB];
	_ =	sdelay $0x3  }
0x98: {  	_ =	strace s17  }
0x99: {  	s3 =	sld [smem:$0x3FFC];
	_ =	sdelay $0x3  }
0x9a: {  	_ =	strace s3  }
0x9b: {  	s3 =	sld [smem:$0x3FFD];
	_ =	sdelay $0x3  }
0x9c: {  	_ =	strace s3  }
0x9d: {  	_ =	strace $0x8FFFFFFF  }
0x9e: {  	s18 =	sld [smem:$0x3FDB];
	_ =	sdelay $0x1  }
0x9f: {  	s19 =	simm.s32 $_scs_section_size  }
0xa0: {  	s5 =	simm.s32 $_size__tile_overlayer_lowered;
	s6 =	simm.s32 $_tile_overlayer_lowered  }
0xa1: {  	s22 =	simm.s32 $0x1BFF;
	s21 =	sshll.u32 s6, $0x1;
	s3 =	sadd.s32 s19, s18  }
0xa2: {  	s7 =	simm.s32 $0x0;
	s20 =	sshll.u32 s5, $0x1;
	s5 =	sadd.s32 s21, s3  }
0xa3: {  	[timem:s7], [sflag:s22] =	dma.local [hbm:s5], s20  }
0xa4: {  	_ =	swait.ge [sflag:s22], s20  }
0xa5: {  	s4 =	ssub.s32 $0x0, s20;
	[sflag:s22] =	ssyncset.done $0x0  }
0xa6: {  	[sflag:s22] =	ssyncadd.s32 s4;
	_ =	sdelay $0x1  }
0xa7: {  	s23 =	simm.s32 $0x1B8B  }
0xa8: {  	_ =	swait.ge [sflag:s23], $0x1  }
0xa9: {  	[sflag:s23] =	ssyncset.done $0x0  }
0xaa: {  	s25 =	simm.s32 $0x1B8E;
	s24 =	sld [smem:$0x3FFE];
	[sflag:s23] =	ssyncadd.s32 $0xFFFFFFFF  }
0xab: {  	s26 =	simm.s32 $execute0_lowered;
	[smem:$0x3FD2] =	sst s25  }
0xac: {  	s5 =	sshll.u32 s26, $0x1;
	_ =	strace $0x80000049;
	[dreg:$0x1] =	wrdreg $0xFFFFFFFF  }
0xad: {  	s28 =	simm.s32 $_size_execute0_lowered;
	s3 =	sadd.s32 s3, s5;
	[dreg:$0x0] =	wrdreg $0x0  }
0xae: {  	s5 =	sshll.u32 s28, $0x1;
	[dreg:$0x2] =	wrdreg s3  }
0xaf: {  	[dreg:$0x3] =	wrdreg s5  }
0xb0: {  	[dreg:$0x4] =	wrdreg $0xC0  }
0xb1: {  	_ =	task [dreg:s7], $0x5FFFF  }
0xb2: {  	[dreg:$0x1] =	wrdreg $0xFFFFFFFF  }
0xb3: {  	[dreg:$0x0] =	wrdreg $0x60  }
0xb4: {  	[dreg:$0x2] =	wrdreg s16  }
0xb5: {  	[dreg:$0x3] =	wrdreg s24  }
0xb6: {  	[dreg:$0x4] =	wrdreg $0x90000  }
0xb7: {  	[dreg:$0x5] =	wrdreg $0x9  }
0xb8: {  	_ =	task.clear_ibuf [dreg:s7], $0x6FFFF;
	_ =	strace $0x90000049  }
0xb9: {  	s29 =	simm.s32 $0x9;
	_ =	strace $0x8000004B  }
0xba: {  	_ =	swait.ge [sflag:s29], $0x1  }
0xbb: {  	[sflag:s29] =	ssyncadd.s32 $0xFFFFFFFF  }
0xbc: {  	_ =	strace $0x9000004B  }
0xbd: {  	_ =	sfence  }
0xbe: {  	s30 =	sld [smem:$0x0];
	_ =	sdelay $0x2  }
0xbf: {  	s31 =	sshll.u32 s1, $0xD;
	s1 =	sshrl.u32 s1, $0x2  }
0xc0: {  	s3 =	sand.u32 $0x4000, s31;
	s1 =	sadd.s32 s1, s30  }
0xc1: {  	s0 =	sor.u32 s3, s0;
	s1 =	sshll.u32 s1, $0x11  }
0xc2: {  	s0 =	sor.u32 s1, s0  }
0xc3: {  	s0 =	sadd.s32 $0x8F2B, s0  }
0xc4: {  	[sflag:s0] =	ssyncadd.remote.s32 $0x1  }
0xc5: {  	_ =	sfence.sel $0xFFFF  }
0xc6: {  	[dreg:$0x0] =	wrdreg $0xFFFFFFFF;
	(pc) =	sbr.abs _section_cstart, $3  }
0xc7: {  	[dreg:$0x1] =	wrdreg $0xFFFFFFFF  }
0xc8: {  	_ =	task.clear_ibuf [dreg:s7], $0x2FFFF;
	_ =	strace $0x9FFFFFFF  }
0xc9: {  	(tm) =	ssettm $0x7FFFFFFF  }
tec
execute0_lowered:
.L_overlay_start_1:
0x0: {  	(tag) =	ssettag $0x1  }
0x1: {  	s1 =	rddreg [dreg:$0x0]  }
0x2: {  	s2 =	srdreg.scid;
	s5 =	rddreg [dreg:$0x1]  }
0x3: {  	s0 =	stileid.u32;
	s3 =	rddreg [dreg:$0x2]  }
0x4: {  	s4 =	simm.s32 $0x0;
	s16 =	simm.s32 $0x5000;
	s17 =	simm.s32 $0x1  }
0x5: {  	s6 =	sand.u32 $0x1, s2;
	s7 =	smul.u32 $0x2800, s0;
	s2 =	rddreg [dreg:$0x3]  }
0x6: {  	s20 =	simm.s32 $0x0;
	[smem:$0x7FF] =	sst s4;
	s9 =	smul.u32 $0x2780, s0  }
0x7: {  	s11 =	smul.u32 $0x4F000, s0;
	s13 =	sadd.s32 $0x38200, s5;
	s30 =	sshll.u32 s0, $0x6  }
0x8: {  	s18 =	sadd.s32 $0x128400, s3;
	p0 =	seq.s32 s0, $0xF;
	s8 =	smul.u32 $0x28000, s6  }
0x9: {  	_ =	strace $0x8000004A;
	s25 =	ssub.s32 $0x2, s6;
	s29 =	smul.u32 $0x27100, s6  }
0xa: {  	s15 =	smul.u32 $0x138800, s6;
	s6 =	sor.u32 $0x1C02, s30;
	s18 =	sshrl.u32 @p0 s18, $0x3  }
0xb: {  	s12 =	sadd.s32 s9, s5;
	s26 =	sshrl.u32 s25, $0x1;
	s28 =	sshrl.u32 s11, $0x2  }
0xc: {  	s8 =	sadd.s32 s7, s8;
	s7 =	sshrl.u32 s7, $0x3;
	s14 =	ssub.s32 s25, s26  }
0xd: {  	s19 =	sadd.s32 s28, s3;
	s9 =	sadd.s32 s9, s29;
	s31 =	sshrl.u32 s15, $0x3  }
0xe: {  	s15 =	simm.s32 $0x80;
	s8 =	sshrl.u32 s8, $0x3;
	s10 =	sadd.s32 s7, s5  }
0xf: {  	s9 =	sadd.s32 s13, s9;
	s11 =	smax.u32 s14, $0x1;
	s14 =	simm.s32 $0x2800  }
0x10: {  	s8 =	sadd.s32 s8, s5;
	s5 =	sadd.s32 $0x10A00, s12;
	s12 =	sshrl.u32 s19, $0x3  }
0x11: {  	s7 =	sadd.s32 $0x6400, s8;
	s8 =	sadd.s32 $0x1400, s10;
	s10 =	sadd.s32 s13, s31  }
0x12: {  	s19 =	sshrl.u32 @!p0 s19, $0x3;
	s13 =	simm.s32 $0x2;
	s10 =	sadd.s32 $0x25080, s10  }
.LBB2_1:
0x13: {  	[spmem:s12], [sflag:s6] =	dma.local [hbm:s5], $0x2780  }
0x14: {  	_ =	swait.ge [sflag:s13], $0x2780  }
0x15: {  	[sflag:s13] =	ssyncset.done $0x0  }
0x16: {  	[sflag:s13] =	ssyncadd.s32 $0xFFFFD880  }
0x17: {  	[bflag:$0x0] =	sbarrier.arrive $0xFFFF  }
0x18: {  	[tilespmem:s4], [sflag:$0x2] =	stream.linear.gather [hbm4b:s7+s4], $0x2780, $0x38;
	[tilespmem:$0x1CC00] =	vst v63  }
0x19: {  	_ =	swait.ge [sflag:s13], $0x2780  }
0x1a: {  	[sflag:s13] =	ssyncset.done $0x0  }
0x1b: {  	[sflag:s13] =	ssyncadd.s32 $0xFFFFD880  }
0x1c: {  	[tilespmem:s14], [sflag:$0x2] =	stream.linear.gather [hbm4b:s8+s4], $0x2780, $0x38;
	[tilespmem:$0x1CC00] =	vst v63  }
0x1d: {  	_ =	swait.ge [sflag:s13], $0x2780  }
0x1e: {  	[sflag:s13] =	ssyncset.done $0x0  }
0x1f: {  	s21 =	simm.s32 $0x0;
	[sflag:s13] =	ssyncadd.s32 $0xFFFFD880  }
0x20: {  	[tilespmem:s16], [sflag:$0x1] =	stream.indirect.gather [hbm4b:s1+s15], $0x80, s21, s15, $0xb8;
	[tilespmem:$0x1CC00] =	vst v63  }
0x21: {  	_ =	swait.ge [sflag:s17], $0x4000  }
0x22: {  	[sflag:s17] =	ssyncset.done $0x0  }
0x23: {  	s31 =	simm.s32 $0x2800;
	[sflag:s17] =	ssyncadd.s32 $0xFFFFC000  }
0x24: {  	[spmem:s3] =	stream.indirect.scatter.add.f32 [tilespmem:s16], [sflag:$0x2], $0x80, s31, s15, $0xb8;
	[tilespmem:$0x1CC00] =	vst v63  }
0x25: {  	_ =	swait.ge [sflag:s13], $0x4000  }
0x26: {  	s22 =	simm.s32 $0x400;
	s21 =	simm.s32 $0x200;
	[sflag:s13] =	ssyncset.done $0x0  }
.LBB2_2:
0x27: {  	s23 =	sshra.s32 s21, $0x2  }
0x28: {  	[sflag:s13] =	ssyncadd.s32 $0xFFFFC000;
	s21 =	smov.u32 s22;
	s24 =	sadd.s32 $0x200, s22  }
0x29: {  	[tilespmem:s16], [sflag:$0x1] =	stream.indirect.gather [hbm4b:s1+s15], $0x80, s23, s15, $0xb8;
	[tilespmem:$0x1CC00] =	vst v63  }
0x2a: {  	p1 =	sne.s32 s22, $0x9C00;
	_ =	swait.ge [sflag:s17], $0x4000  }
.Ltmp0:
0x2b: {  	[sflag:s17] =	ssyncset.done $0x0;
	(pc) =	sbr.rel @p1 .LBB2_2-.Ltmp0, $4  }
0x2c: {  	s22 =	sadd.s32 $0x2800, s23;
	[sflag:s17] =	ssyncadd.s32 $0xFFFFC000  }
0x2d: {  	[spmem:s3] =	stream.indirect.scatter.add.f32 [tilespmem:s16], [sflag:$0x2], $0x80, s22, s15, $0xb8;
	[tilespmem:$0x1CC00] =	vst v63  }
0x2e: {  	_ =	swait.ge [sflag:s13], $0x4000  }
0x2f: {  	s22 =	smov.u32 s24;
	[sflag:s13] =	ssyncset.done $0x0  }
0x30: {  	s21 =	sshra.s32 s21, $0x2;
	[sflag:s13] =	ssyncadd.s32 $0xFFFFC000  }
0x31: {  	[tilespmem:s16], [sflag:$0x1] =	stream.indirect.gather [hbm4b:s1+s15], $0x80, s21, s15, $0xb8;
	[tilespmem:$0x1CC00] =	vst v63  }
0x32: {  	_ =	swait.ge [sflag:s17], $0x4000  }
0x33: {  	[sflag:s17] =	ssyncset.done $0x0  }
0x34: {  	s21 =	sadd.s32 $0x2800, s21;
	[sflag:s17] =	ssyncadd.s32 $0xFFFFC000  }
0x35: {  	[spmem:s3] =	stream.indirect.scatter.add.f32 [tilespmem:s16], [sflag:$0x2], $0x80, s21, s15, $0xb8;
	[tilespmem:$0x1CC00] =	vst v63  }
0x36: {  	_ =	swait.ge [sflag:s13], $0x4000  }
0x37: {  	[sflag:s13] =	ssyncset.done $0x0  }
0x38: {  	[sflag:s13] =	ssyncadd.s32 $0xFFFFC000  }
0x39: {  	s21 =	simm.s32 @p0 $0x2;
	[bflag:$0x0] =	sbarrier.arrive $0xFFFF  }
0x3a: {  	[hbm:s10], [sflag:s6] =	dma.local @p0 [spmem:s18], $0x2080  }
0x3b: {  	s20 =	sadd.s32 $0x1, s20;
	_ =	swait.ge @p0 [sflag:s21], $0x2080  }
0x3c: {  	p1 =	sne.s32 s20, s11;
	[sflag:s21] =	ssyncset.done @p0 $0x0  }
.Ltmp1:
0x3d: {  	[sflag:s21] =	ssyncadd.s32 @p0 $0xFFFFDF80;
	s21 =	simm.s32 @!p0 $0x2;
	(pc) =	sbr.rel @p1 .LBB2_1-.Ltmp1, $4  }
0x3e: {  	[hbm:s9], [sflag:s6] =	dma.local @!p0 [spmem:s19], $0x2780  }
0x3f: {  	_ =	swait.ge @!p0 [sflag:s21], $0x2780  }
0x40: {  	[sflag:s21] =	ssyncset.done @!p0 $0x0  }
0x41: {  	[sflag:s21] =	ssyncadd.s32 @!p0 $0xFFFFD880  }
0x42: {  	_ =	sfence.sel $0x180000  }
0x43: {  	[bflag:$0x0] =	sbarrier.arrive $0xFFFF  }
0x44: {  	p0 =	sne.s32 s0, $0x0;
	_ =	strace $0x9000004A  }
0x45: {  	s0 =	sadd.s32 @!p0 $0x100000, s2;
	[bflag:$0x2] =	sbarrier.arrive $0xFFFF  }
0x46: {  	[sflag:s0] =	ssyncadd.tile.s32 @!p0 $0x1;
	_ =	shalt  }
.Lfunc_end2:
_tile_overlayer_lowered:
.L_overlay_start_2:
0x47: {  	(tag) =	ssettag $0x2  }
0x48: {  	s0 =	rddreg [dreg:$0x0];
	s2 =	stileid.u32  }
0x49: {  	s1 =	rddreg [dreg:$0x1];
	p0 =	sne.s32 s2, $0x0  }
0x4a: {  	s3 =	rddreg [dreg:$0x2];
	[bflag:$0x3] =	sbarrier.arrive $0xFFFF;
	s2 =	simm.s32 @!p0 $0x1C02  }
0x4b: {  	[timem:s3], [sflag:s2] =	dma.local @!p0 [hbm:s0], s1  }
0x4c: {  	s0 =	simm.s32 @!p0 $0x2  }
0x4d: {  	_ =	swait.ge @!p0 [sflag:s0], s1  }
0x4e: {  	s1 =	ssub.s32 @!p0 $0x0, s1;
	[sflag:s0] =	ssyncset.done @!p0 $0x0  }
0x4f: {  	[sflag:s0] =	ssyncadd.s32 @!p0 s1  }
0x50: {  	[bflag:$0x3] =	sbarrier.arrive $0xFFFF  }
0x51: {  	_ =	shalt  }

// kernel: kernel.16.cloned.1.call-start
scs
__scs_entry_jumppad:
0x0: {  	(pc) =	sbr.rel $0x88, $3  }
0x1: {  	(tag) =	ssettag $0x0;
	lr =	simm.s32 $0x1  }
0x2: {  	[smem:$0x3F95] =	sst lr;
	_ =	strace $0xD0000000  }
0x3: {  	_ = 	snop  }
0x4: {  	_ = 	snop  }
0x5: {  	_ = 	snop  }
0x6: {  	_ = 	snop  }
0x7: {  	_ = 	snop  }
__scs_overlays_trampoline_lowered:
0x8: {  	[smem:$0x3FA4] =	sst s0  }
0x9: {  	[smem:$0x3FA5] =	sst s1  }
0xa: {  	[smem:$0x3FA6] =	sst s2  }
0xb: {  	[smem:$0x3FA7] =	sst s3  }
0xc: {  	[smem:$0x3FA8] =	sst s4  }
0xd: {  	[smem:$0x3FA9] =	sst s5  }
0xe: {  	[smem:$0x3FAA] =	sst s6  }
0xf: {  	[smem:$0x3FAB] =	sst s7  }
0x10: {  	[smem:$0x3FAC] =	sst s8  }
0x11: {  	[smem:$0x3FAD] =	sst s9;
	s0 =	simm.s32 @!p0 $0x0  }
0x12: {  	s1 =	sld [smem:$0x3F93];
	s0 =	simm.s32 @p0 $0x1  }
0x13: {  	[smem:$0x3FAE] =	sst s0;
	s0 =	simm.s32 @!p1 $0x0  }
0x14: {  	s2 =	sld [smem:$0x3F92];
	s0 =	simm.s32 @p1 $0x1  }
0x15: {  	[smem:$0x3FAF] =	sst s0;
	s0 =	simm.s32 @!p2 $0x0  }
0x16: {  	s3 =	sld [smem:$0x3FDB];
	s0 =	simm.s32 @p2 $0x1  }
0x17: {  	s4 =	simm.s32 $0x1BF5;
	[smem:$0x3FB1] =	sst s0  }
0x18: {  	s0 =	sld [smem:$0x3F94];
	_ =	swait.ge [sflag:s4], $0x0  }
0x19: {  	s7 =	sld [smem:$0x3F95]  }
0x1a: {  	s8 =	sadd.s32 $0xFFFFE003, lr  }
0x1b: {  	s9 =	sadd.s32 $0xFFFFFEF7, lr;
	s5 =	simm.s32 $0xFFFFFFFF;
	p2 =	slt.u32 s8, $0xFFFFF086  }
0x1c: {  	p1 =	slt.u32 s9, $0xF7A;
	s5 =	simm.s32 @!p2 $0x0  }
0x1d: {  	s5 =	simm.s32 @p1 $0x1;
	p0 =	seq.s32 s7, s2  }
0x1e: {  	s7 =	smul.u32 @!p0 $0xF7A, s2;
	p2 =	seq.s32 @!p0 s5, $0x0  }
0x1f: {  	s9 =	smul.u32 $0xF7A, s1;
	s8 =	simm.s32 @!p0 $0x1BF5;
	p2 =	por !p2, p0  }
0x20: {  	[sflag:s8] =	ssyncset.s32 @!p0 $0xFFFFF086;
	s6 =	sadd.s32 @!p0 s3, s7;
	s7 =	simm.s32 @!p0 $0x108  }
0x21: {  	s3 =	sadd.s32 s3, s9;
	s6 =	sadd.s32 @!p0 $0x88, s6;
	s7 =	simm.s32 @p2 $0x1082  }
0x22: {  	[simem:s7], [sflag:s8] =	dma.local @!p0 [hbm:s6], $0xF7A  }
0x23: {  	s9 =	sor.u32 $0xD0000000, s2;
	s6 =	simm.s32 $0x108;
	_ =	swait.ge @!p0 [sflag:s8], $0x0  }
0x24: {  	s3 =	sadd.s32 $0x88, s3;
	s6 =	simm.s32 @!p1 $0x1082;
	[sflag:s4] =	ssyncset.s32 $0xFFFFF086  }
0x25: {  	[simem:s6], [sflag:s4] =	dma.local [hbm:s3], $0xF7A  }
0x26: {  	[smem:$0x3F95] =	sst s1;
	(tag) =	ssettag s2;
	_ =	strace s9  }
0x27: {  	s1 =	sld [smem:$0x3FA5]  }
0x28: {  	s2 =	sld [smem:$0x3FA6]  }
0x29: {  	s4 =	sld [smem:$0x3FA8]  }
0x2a: {  	p0 =	seq.s32 s5, $0x0;
	s5 =	sld [smem:$0x3FA9]  }
0x2b: {  	s6 =	sld [smem:$0x3FAA]  }
0x2c: {  	s7 =	sld [smem:$0x3FAB]  }
0x2d: {  	s3 =	simm.s32 $0x108;
	s8 =	sld [smem:$0x3FAC]  }
0x2e: {  	s3 =	simm.s32 @!p0 $0x1082;
	s9 =	sld [smem:$0x3FAD]  }
0x2f: {  	lr =	sadd.s32 s0, s3;
	s0 =	sld [smem:$0x3FA4]  }
0x30: {  	s3 =	sld [smem:$0x3FA7]  }
0x31: {  	[smem:$0x3FB0] =	sst s10  }
0x32: {  	s10 =	sld [smem:$0x3FAE];
	_ =	sdelay $0x3  }
0x33: {  	p0 =	seq.s32 s10, $0x1;
	s10 =	sld [smem:$0x3FB0];
	_ =	sdelay $0x3  }
0x34: {  	[smem:$0x3FB0] =	sst s10  }
0x35: {  	s10 =	sld [smem:$0x3FAF];
	_ =	sdelay $0x3  }
0x36: {  	p1 =	seq.s32 s10, $0x1;
	s10 =	sld [smem:$0x3FB0];
	_ =	sdelay $0x3  }
0x37: {  	[smem:$0x3FB0] =	sst s10  }
0x38: {  	s10 =	sld [smem:$0x3FB1]  }
0x39: {  	_ = 	snop;
	(pc) =	sbr.ind lr, $3  }
0x3a: {  	_ = 	snop  }
0x3b: {  	_ = 	snop  }
0x3c: {  	p2 =	seq.s32 s10, $0x1;
	s10 =	sld [smem:$0x3FB0]  }
0x3d: {  	_ =	shalt  }
0x3e: {  	_ =	shalt  }
0x3f: {  	_ =	shalt  }
0x40: {  	_ =	shalt  }
0x41: {  	_ =	shalt  }
0x42: {  	_ =	shalt  }
0x43: {  	_ =	shalt  }
0x44: {  	_ =	shalt  }
0x45: {  	_ =	shalt  }
0x46: {  	_ =	shalt  }
0x47: {  	_ =	shalt  }
0x48: {  	_ =	shalt  }
0x49: {  	_ =	shalt  }
0x4a: {  	_ =	shalt  }
0x4b: {  	_ =	shalt  }
0x4c: {  	_ =	shalt  }
0x4d: {  	_ =	shalt  }
0x4e: {  	_ =	shalt  }
0x4f: {  	_ =	shalt  }
0x50: {  	_ =	shalt  }
0x51: {  	_ =	shalt  }
0x52: {  	_ =	shalt  }
0x53: {  	_ =	shalt  }
0x54: {  	_ =	shalt  }
0x55: {  	_ =	shalt  }
0x56: {  	_ =	shalt  }
0x57: {  	_ =	shalt  }
0x58: {  	_ =	shalt  }
0x59: {  	_ =	shalt  }
0x5a: {  	_ =	shalt  }
0x5b: {  	_ =	shalt  }
0x5c: {  	_ =	shalt  }
0x5d: {  	_ =	shalt  }
0x5e: {  	_ =	shalt  }
0x5f: {  	_ =	shalt  }
0x60: {  	_ =	shalt  }
0x61: {  	_ =	shalt  }
0x62: {  	_ =	shalt  }
0x63: {  	_ =	shalt  }
0x64: {  	_ =	shalt  }
0x65: {  	_ =	shalt  }
0x66: {  	_ =	shalt  }
0x67: {  	_ =	shalt  }
0x68: {  	_ =	shalt  }
0x69: {  	_ =	shalt  }
0x6a: {  	_ =	shalt  }
0x6b: {  	_ =	shalt  }
0x6c: {  	_ =	shalt  }
0x6d: {  	_ =	shalt  }
0x6e: {  	_ =	shalt  }
0x6f: {  	_ =	shalt  }
0x70: {  	_ =	shalt  }
0x71: {  	_ =	shalt  }
0x72: {  	_ =	shalt  }
0x73: {  	_ =	shalt  }
0x74: {  	_ =	shalt  }
0x75: {  	_ =	shalt  }
0x76: {  	_ =	shalt  }
0x77: {  	_ =	shalt  }
0x78: {  	_ =	shalt  }
0x79: {  	_ =	shalt  }
0x7a: {  	_ =	shalt  }
0x7b: {  	_ =	shalt  }
0x7c: {  	_ =	shalt  }
0x7d: {  	_ =	shalt  }
0x7e: {  	_ =	shalt  }
0x7f: {  	_ =	shalt  }
0x80: {  	_ =	shalt  }
0x81: {  	_ =	shalt  }
0x82: {  	_ =	shalt  }
0x83: {  	_ =	shalt  }
0x84: {  	_ =	shalt  }
0x85: {  	_ =	shalt  }
0x86: {  	_ =	shalt  }
0x87: {  	_ =	shalt  }
.Lfunc_end0:
.L_simem_size_0:
called_computation.2_lowered:
.L_overlay_start_0:
0x88: {  	s2 =	sld [smem:$0x3FD9]  }
0x89: {  	s3 =	sld [smem:$0x3FFE];
	_ =	sdelay $0x1  }
0x8a: {  	s1 =	srdreg.scid  }
0x8b: {  	s0 =	sand.u32 $0x1, s1  }
0x8c: {  	s14 =	sshll.u32 s0, $0xA;
	s2 =	sadd.s32 s3, s2  }
0x8d: {  	s2 =	sadd.s32 s2, s14  }
0x8e: {  	[smem:$0x3FBC] =	sst s2  }
0x8f: {  	_ = 	snop  }
0x90: {  	s2 =	sld [smem:$0x3FD0];
	_ =	sdelay $0x2  }
0x91: {  	s15 =	simm.s32 $0xA;
	s4 =	simm.s32 $0x10  }
0x92: {  	[smem:s4], [sflag:s15] =	dma.local [hbm:s2], $0x1  }
0x93: {  	_ =	swait.eq [sflag:s15], $0x1  }
0x94: {  	[sflag:s15] =	ssyncset.done $0x0  }
0x95: {  	[sflag:s15] =	ssyncadd.s32 $0xFFFFFFFF  }
0x96: {  	s16 =	sld [smem:$0x11];
	(tm) =	ssettm $0x1  }
0x97: {  	s17 =	sld [smem:$0x3FFB];
	_ =	sdelay $0x3  }
0x98: {  	_ =	strace s17  }
0x99: {  	s3 =	sld [smem:$0x3FFC];
	_ =	sdelay $0x3  }
0x9a: {  	_ =	strace s3  }
0x9b: {  	s3 =	sld [smem:$0x3FFD];
	_ =	sdelay $0x3  }
0x9c: {  	_ =	strace s3  }
0x9d: {  	_ =	strace $0x8FFFFFFF  }
0x9e: {  	s18 =	sld [smem:$0x3FDB];
	_ =	sdelay $0x1  }
0x9f: {  	s19 =	simm.s32 $_scs_section_size  }
0xa0: {  	s5 =	simm.s32 $_size__tile_overlayer_lowered;
	s6 =	simm.s32 $_tile_overlayer_lowered  }
0xa1: {  	s22 =	simm.s32 $0x1BFF;
	s21 =	sshll.u32 s6, $0x1;
	s3 =	sadd.s32 s19, s18  }
0xa2: {  	s7 =	simm.s32 $0x0;
	s20 =	sshll.u32 s5, $0x1;
	s5 =	sadd.s32 s21, s3  }
0xa3: {  	[timem:s7], [sflag:s22] =	dma.local [hbm:s5], s20  }
0xa4: {  	_ =	swait.ge [sflag:s22], s20  }
0xa5: {  	s4 =	ssub.s32 $0x0, s20;
	[sflag:s22] =	ssyncset.done $0x0  }
0xa6: {  	[sflag:s22] =	ssyncadd.s32 s4;
	_ =	sdelay $0x1  }
0xa7: {  	s23 =	simm.s32 $0x1B8B  }
0xa8: {  	_ =	swait.ge [sflag:s23], $0x1  }
0xa9: {  	[sflag:s23] =	ssyncset.done $0x0  }
0xaa: {  	s25 =	simm.s32 $0x1B8E;
	s24 =	sld [smem:$0x3FFE];
	[sflag:s23] =	ssyncadd.s32 $0xFFFFFFFF  }
0xab: {  	s26 =	simm.s32 $execute0_lowered;
	[smem:$0x3FD2] =	sst s25  }
0xac: {  	s5 =	sshll.u32 s26, $0x1;
	_ =	strace $0x8000004C;
	[dreg:$0x1] =	wrdreg $0xFFFFFFFF  }
0xad: {  	s28 =	simm.s32 $_size_execute0_lowered;
	s3 =	sadd.s32 s3, s5;
	[dreg:$0x0] =	wrdreg $0x0  }
0xae: {  	s5 =	sshll.u32 s28, $0x1;
	[dreg:$0x2] =	wrdreg s3  }
0xaf: {  	[dreg:$0x3] =	wrdreg s5  }
0xb0: {  	[dreg:$0x4] =	wrdreg $0xC0  }
0xb1: {  	_ =	task [dreg:s7], $0x5FFFF  }
0xb2: {  	[dreg:$0x1] =	wrdreg $0xFFFFFFFF  }
0xb3: {  	[dreg:$0x0] =	wrdreg $0x60  }
0xb4: {  	[dreg:$0x2] =	wrdreg s16  }
0xb5: {  	[dreg:$0x3] =	wrdreg s24  }
0xb6: {  	[dreg:$0x4] =	wrdreg $0x90000  }
0xb7: {  	[dreg:$0x5] =	wrdreg $0x9  }
0xb8: {  	_ =	task.clear_ibuf [dreg:s7], $0x6FFFF;
	_ =	strace $0x9000004C  }
0xb9: {  	s29 =	simm.s32 $0x9;
	_ =	strace $0x8000004E  }
0xba: {  	_ =	swait.ge [sflag:s29], $0x1  }
0xbb: {  	[sflag:s29] =	ssyncadd.s32 $0xFFFFFFFF  }
0xbc: {  	_ =	strace $0x9000004E  }
0xbd: {  	_ =	sfence  }
0xbe: {  	s30 =	sld [smem:$0x0];
	_ =	sdelay $0x2  }
0xbf: {  	s31 =	sshll.u32 s1, $0xD;
	s1 =	sshrl.u32 s1, $0x2  }
0xc0: {  	s3 =	sand.u32 $0x4000, s31;
	s1 =	sadd.s32 s1, s30  }
0xc1: {  	s0 =	sor.u32 s3, s0;
	s1 =	sshll.u32 s1, $0x11  }
0xc2: {  	s0 =	sor.u32 s1, s0  }
0xc3: {  	s0 =	sadd.s32 $0x8F2B, s0  }
0xc4: {  	[sflag:s0] =	ssyncadd.remote.s32 $0x1  }
0xc5: {  	_ =	sfence.sel $0xFFFF  }
0xc6: {  	[dreg:$0x0] =	wrdreg $0xFFFFFFFF;
	(pc) =	sbr.abs _section_cstart, $3  }
0xc7: {  	[dreg:$0x1] =	wrdreg $0xFFFFFFFF  }
0xc8: {  	_ =	task.clear_ibuf [dreg:s7], $0x2FFFF;
	_ =	strace $0x9FFFFFFF  }
0xc9: {  	(tm) =	ssettm $0x7FFFFFFF  }
tec
execute0_lowered:
.L_overlay_start_1:
0x0: {  	(tag) =	ssettag $0x1  }
0x1: {  	s1 =	rddreg [dreg:$0x0]  }
0x2: {  	s2 =	srdreg.scid;
	s5 =	rddreg [dreg:$0x1]  }
0x3: {  	s0 =	stileid.u32;
	s3 =	rddreg [dreg:$0x2]  }
0x4: {  	s4 =	simm.s32 $0x0;
	s16 =	simm.s32 $0x5000;
	s17 =	simm.s32 $0x1  }
0x5: {  	s6 =	sand.u32 $0x1, s2;
	s7 =	smul.u32 $0x2800, s0;
	s2 =	rddreg [dreg:$0x3]  }
0x6: {  	s20 =	simm.s32 $0x0;
	[smem:$0x7FF] =	sst s4;
	s9 =	smul.u32 $0x2780, s0  }
0x7: {  	s11 =	smul.u32 $0x4F000, s0;
	s13 =	sadd.s32 $0x38200, s5;
	s30 =	sshll.u32 s0, $0x6  }
0x8: {  	s18 =	sadd.s32 $0x128400, s3;
	p0 =	seq.s32 s0, $0xF;
	s8 =	smul.u32 $0x28000, s6  }
0x9: {  	_ =	strace $0x8000004D;
	s25 =	ssub.s32 $0x2, s6;
	s29 =	smul.u32 $0x27100, s6  }
0xa: {  	s15 =	smul.u32 $0x138800, s6;
	s6 =	sor.u32 $0x1C02, s30;
	s18 =	sshrl.u32 @p0 s18, $0x3  }
0xb: {  	s12 =	sadd.s32 s9, s5;
	s26 =	sshrl.u32 s25, $0x1;
	s28 =	sshrl.u32 s11, $0x2  }
0xc: {  	s8 =	sadd.s32 s7, s8;
	s7 =	sshrl.u32 s7, $0x3;
	s14 =	ssub.s32 s25, s26  }
0xd: {  	s19 =	sadd.s32 s28, s3;
	s9 =	sadd.s32 s9, s29;
	s31 =	sshrl.u32 s15, $0x3  }
0xe: {  	s15 =	simm.s32 $0x80;
	s8 =	sshrl.u32 s8, $0x3;
	s10 =	sadd.s32 s7, s5  }
0xf: {  	s9 =	sadd.s32 s13, s9;
	s11 =	smax.u32 s14, $0x1;
	s14 =	simm.s32 $0x2800  }
0x10: {  	s8 =	sadd.s32 s8, s5;
	s5 =	sadd.s32 $0x10A00, s12;
	s12 =	sshrl.u32 s19, $0x3  }
0x11: {  	s7 =	sadd.s32 $0x6400, s8;
	s8 =	sadd.s32 $0x1400, s10;
	s10 =	sadd.s32 s13, s31  }
0x12: {  	s19 =	sshrl.u32 @!p0 s19, $0x3;
	s13 =	simm.s32 $0x2;
	s10 =	sadd.s32 $0x25080, s10  }
.LBB2_1:
0x13: {  	[spmem:s12], [sflag:s6] =	dma.local [hbm:s5], $0x2780  }
0x14: {  	_ =	swait.ge [sflag:s13], $0x2780  }
0x15: {  	[sflag:s13] =	ssyncset.done $0x0  }
0x16: {  	[sflag:s13] =	ssyncadd.s32 $0xFFFFD880  }
0x17: {  	[bflag:$0x0] =	sbarrier.arrive $0xFFFF  }
0x18: {  	[tilespmem:s4], [sflag:$0x2] =	stream.linear.gather [hbm4b:s7+s4], $0x2780, $0x38;
	[tilespmem:$0x1CC00] =	vst v63  }
0x19: {  	_ =	swait.ge [sflag:s13], $0x2780  }
0x1a: {  	[sflag:s13] =	ssyncset.done $0x0  }
0x1b: {  	[sflag:s13] =	ssyncadd.s32 $0xFFFFD880  }
0x1c: {  	[tilespmem:s14], [sflag:$0x2] =	stream.linear.gather [hbm4b:s8+s4], $0x2780, $0x38;
	[tilespmem:$0x1CC00] =	vst v63  }
0x1d: {  	_ =	swait.ge [sflag:s13], $0x2780  }
0x1e: {  	[sflag:s13] =	ssyncset.done $0x0  }
0x1f: {  	s21 =	simm.s32 $0x0;
	[sflag:s13] =	ssyncadd.s32 $0xFFFFD880  }
0x20: {  	[tilespmem:s16], [sflag:$0x1] =	stream.indirect.gather [hbm4b:s1+s15], $0x80, s21, s15, $0xb8;
	[tilespmem:$0x1CC00] =	vst v63  }
0x21: {  	_ =	swait.ge [sflag:s17], $0x4000  }
0x22: {  	[sflag:s17] =	ssyncset.done $0x0  }
0x23: {  	s31 =	simm.s32 $0x2800;
	[sflag:s17] =	ssyncadd.s32 $0xFFFFC000  }
0x24: {  	[spmem:s3] =	stream.indirect.scatter.add.f32 [tilespmem:s16], [sflag:$0x2], $0x80, s31, s15, $0xb8;
	[tilespmem:$0x1CC00] =	vst v63  }
0x25: {  	_ =	swait.ge [sflag:s13], $0x4000  }
0x26: {  	s22 =	simm.s32 $0x400;
	s21 =	simm.s32 $0x200;
	[sflag:s13] =	ssyncset.done $0x0  }
.LBB2_2:
0x27: {  	s23 =	sshra.s32 s21, $0x2  }
0x28: {  	[sflag:s13] =	ssyncadd.s32 $0xFFFFC000;
	s21 =	smov.u32 s22;
	s24 =	sadd.s32 $0x200, s22  }
0x29: {  	[tilespmem:s16], [sflag:$0x1] =	stream.indirect.gather [hbm4b:s1+s15], $0x80, s23, s15, $0xb8;
	[tilespmem:$0x1CC00] =	vst v63  }
0x2a: {  	p1 =	sne.s32 s22, $0x9C00;
	_ =	swait.ge [sflag:s17], $0x4000  }
.Ltmp0:
0x2b: {  	[sflag:s17] =	ssyncset.done $0x0;
	(pc) =	sbr.rel @p1 .LBB2_2-.Ltmp0, $4  }
0x2c: {  	s22 =	sadd.s32 $0x2800, s23;
	[sflag:s17] =	ssyncadd.s32 $0xFFFFC000  }
0x2d: {  	[spmem:s3] =	stream.indirect.scatter.add.f32 [tilespmem:s16], [sflag:$0x2], $0x80, s22, s15, $0xb8;
	[tilespmem:$0x1CC00] =	vst v63  }
0x2e: {  	_ =	swait.ge [sflag:s13], $0x4000  }
0x2f: {  	s22 =	smov.u32 s24;
	[sflag:s13] =	ssyncset.done $0x0  }
0x30: {  	s21 =	sshra.s32 s21, $0x2;
	[sflag:s13] =	ssyncadd.s32 $0xFFFFC000  }
0x31: {  	[tilespmem:s16], [sflag:$0x1] =	stream.indirect.gather [hbm4b:s1+s15], $0x80, s21, s15, $0xb8;
	[tilespmem:$0x1CC00] =	vst v63  }
0x32: {  	_ =	swait.ge [sflag:s17], $0x4000  }
0x33: {  	[sflag:s17] =	ssyncset.done $0x0  }
0x34: {  	s21 =	sadd.s32 $0x2800, s21;
	[sflag:s17] =	ssyncadd.s32 $0xFFFFC000  }
0x35: {  	[spmem:s3] =	stream.indirect.scatter.add.f32 [tilespmem:s16], [sflag:$0x2], $0x80, s21, s15, $0xb8;
	[tilespmem:$0x1CC00] =	vst v63  }
0x36: {  	_ =	swait.ge [sflag:s13], $0x4000  }
0x37: {  	[sflag:s13] =	ssyncset.done $0x0  }
0x38: {  	[sflag:s13] =	ssyncadd.s32 $0xFFFFC000  }
0x39: {  	s21 =	simm.s32 @p0 $0x2;
	[bflag:$0x0] =	sbarrier.arrive $0xFFFF  }
0x3a: {  	[hbm:s10], [sflag:s6] =	dma.local @p0 [spmem:s18], $0x2080  }
0x3b: {  	s20 =	sadd.s32 $0x1, s20;
	_ =	swait.ge @p0 [sflag:s21], $0x2080  }
0x3c: {  	p1 =	sne.s32 s20, s11;
	[sflag:s21] =	ssyncset.done @p0 $0x0  }
.Ltmp1:
0x3d: {  	[sflag:s21] =	ssyncadd.s32 @p0 $0xFFFFDF80;
	s21 =	simm.s32 @!p0 $0x2;
	(pc) =	sbr.rel @p1 .LBB2_1-.Ltmp1, $4  }
0x3e: {  	[hbm:s9], [sflag:s6] =	dma.local @!p0 [spmem:s19], $0x2780  }
0x3f: {  	_ =	swait.ge @!p0 [sflag:s21], $0x2780  }
0x40: {  	[sflag:s21] =	ssyncset.done @!p0 $0x0  }
0x41: {  	[sflag:s21] =	ssyncadd.s32 @!p0 $0xFFFFD880  }
0x42: {  	_ =	sfence.sel $0x180000  }
0x43: {  	[bflag:$0x0] =	sbarrier.arrive $0xFFFF  }
0x44: {  	p0 =	sne.s32 s0, $0x0;
	_ =	strace $0x9000004D  }
0x45: {  	s0 =	sadd.s32 @!p0 $0x100000, s2;
	[bflag:$0x2] =	sbarrier.arrive $0xFFFF  }
0x46: {  	[sflag:s0] =	ssyncadd.tile.s32 @!p0 $0x1;
	_ =	shalt  }
.Lfunc_end2:
_tile_overlayer_lowered:
.L_overlay_start_2:
0x47: {  	(tag) =	ssettag $0x2  }
0x48: {  	s0 =	rddreg [dreg:$0x0];
	s2 =	stileid.u32  }
0x49: {  	s1 =	rddreg [dreg:$0x1];
	p0 =	sne.s32 s2, $0x0  }
0x4a: {  	s3 =	rddreg [dreg:$0x2];
	[bflag:$0x3] =	sbarrier.arrive $0xFFFF;
	s2 =	simm.s32 @!p0 $0x1C02  }
0x4b: {  	[timem:s3], [sflag:s2] =	dma.local @!p0 [hbm:s0], s1  }
0x4c: {  	s0 =	simm.s32 @!p0 $0x2  }
0x4d: {  	_ =	swait.ge @!p0 [sflag:s0], s1  }
0x4e: {  	s1 =	ssub.s32 @!p0 $0x0, s1;
	[sflag:s0] =	ssyncset.done @!p0 $0x0  }
0x4f: {  	[sflag:s0] =	ssyncadd.s32 @!p0 s1  }
0x50: {  	[bflag:$0x3] =	sbarrier.arrive $0xFFFF  }
0x51: {  	_ =	shalt  }

</sc_bundles>
